<compile_context>
chip_gen: v7x
topology: tpu7x:2x2x1
jax: 0.10.2.dev20260603
libtpu: 0.0.44.dev20260713+nightly
codegen_flags: <defaults>
</compile_context>

<pallas_src>
import dataclasses
import functools

import jax
import jax.numpy as jnp
from jax import lax
from jax.experimental import pallas as pl
from jax.experimental.pallas import tpu as pltpu
from jax.experimental.pallas import tpu_sc as plsc

N = 10000
E = 320000
C = 128
NC = 2
NS = 16
NW = NC * NS
EPW = E // NW
K = 80
NCHUNK = EPW // K
NCHA = 128
EPWA = NCHA * K
EPAD = NW * EPWA

_mesh = plsc.VectorSubcoreMesh(core_axis_name="c", subcore_axis_name="s")

_cp_no_layout = pltpu.CompilerParams()
if "needs_layout_passes" in pltpu.CompilerParams.__dataclass_fields__:
    _cp_no_layout = dataclasses.replace(_cp_no_layout, needs_layout_passes=False)



@functools.partial(
    pl.kernel,
    out_type=jax.ShapeDtypeStruct((NW, N), jnp.float32),
    mesh=_mesh,
    scratch_types=[
        pltpu.VMEM((NCHUNK, K), jnp.int32),
        pltpu.VMEM((N,), jnp.float32),
    ],
    compiler_params=_cp_no_layout,
)
def _sc_degree(dst_hbm, degp_hbm, idx_v, deg_v):
    c = lax.axis_index("c")
    s = lax.axis_index("s")
    wid = c * NS + s
    pltpu.sync_copy(dst_hbm.at[wid], idx_v)

    zeros16 = jnp.zeros((16,), jnp.float32)

    @pl.loop(0, N // 16)
    def _(i):
        deg_v[pl.ds(i * 16, 16)] = zeros16

    ones16 = jnp.ones((16,), jnp.float32)

    @pl.loop(0, NCHUNK)
    def _(j):
        @pl.loop(0, K // 16)
        def _(l):
            idx16 = idx_v[j, pl.ds(l * 16, 16)]
            plsc.addupdate_scatter(deg_v, [idx16], ones16)

    pltpu.sync_copy(deg_v, degp_hbm.at[wid])



RPSA = 624
TBASE = RPSA * NS
TAIL = N - TBASE


def _rowwise_copy(s, src, dst):
    pltpu.sync_copy(src.at[pl.ds(s * RPSA, RPSA)], dst.at[pl.ds(s * RPSA, RPSA)])

    @pl.when(s == NS - 1)
    def _():
        pltpu.sync_copy(src.at[pl.ds(TBASE, TAIL)], dst.at[pl.ds(TBASE, TAIL)])


@functools.partial(
    pl.kernel,
    out_type=jax.ShapeDtypeStruct((NC, N, C), jnp.float32),
    mesh=_mesh,
    scratch_types=[
        pltpu.VMEM((2, K), jnp.int32),
        pltpu.VMEM((2, K), jnp.int32),
        pltpu.VMEM((2, K), jnp.int32),
        pltpu.VMEM((2, K), jnp.int32),
        pltpu.VMEM((K, C), jnp.float32),
        pltpu.VMEM((K, C), jnp.float32),
        pltpu.VMEM_SHARED((N, C), jnp.float32),
        pltpu.SemaphoreType.DMA,
        pltpu.SemaphoreType.DMA,
        pltpu.SemaphoreType.DMA,
        pltpu.SemaphoreType.DMA,
        pltpu.SemaphoreType.DMA,
        pltpu.SemaphoreType.DMA,
    ],
)
def _sc_aggregate(edges_hbm, z_hbm, h2p_hbm, acc_hbm,
                  i0, i1, i2, i3, ra, rb, acc_sh,
                  si0, si1, si2, si3, sa, sb):
    c = lax.axis_index("c")
    s = lax.axis_index("s")
    wid = c * NS + s
    _rowwise_copy(s, z_hbm, acc_sh)

    idx = (i0, i1, i2, i3)
    isem = (si0, si1, si2, si3)
    row = (ra, rb)
    gsem = (sa, sb)

    for t in range(4):
        pltpu.make_async_copy(edges_hbm.at[wid, t], idx[t], isem[t]).start()
    plsc.subcore_barrier()
    for t in range(2):
        pltpu.make_async_copy(edges_hbm.at[wid, t], idx[t], isem[t]).wait()
        pltpu.make_async_copy(h2p_hbm.at[idx[t].at[0]], row[t], gsem[t]).start()

    @pl.loop(0, NCHA // 4)
    def _(j):
        base = 4 * j
        for t in range(4):
            cc = base + t
            n4 = jnp.where(cc + 4 >= NCHA, cc + 4 - NCHA, cc + 4)
            n2 = jnp.where(cc + 2 >= NCHA, cc + 2 - NCHA, cc + 2)
            ib, sI = idx[t], isem[t]
            ig, sg = idx[(t + 2) % 4], isem[(t + 2) % 4]
            rbuf, sG = row[t % 2], gsem[t % 2]
            pltpu.make_async_copy(h2p_hbm.at[ib.at[0]], rbuf, sG).wait()
            pltpu.sync_copy(rbuf, acc_sh.at[ib.at[1]], add=True)
            pltpu.make_async_copy(edges_hbm.at[wid, n4], ib, sI).start()
            pltpu.make_async_copy(edges_hbm.at[wid, n2], ig, sg).wait()
            pltpu.make_async_copy(h2p_hbm.at[ig.at[0]], rbuf, sG).start()

    for t in range(2):
        pltpu.make_async_copy(h2p_hbm.at[idx[t].at[0]], row[t], gsem[t]).wait()
    for t in (2, 3):
        pltpu.make_async_copy(edges_hbm.at[wid, t], idx[t], isem[t]).wait()

    plsc.subcore_barrier()
    _rowwise_copy(s, acc_sh, acc_hbm.at[c])



BM = 1000


def _deg_col(degp_ref):
    return jnp.sum(degp_ref[...], axis=1, keepdims=True) + 1.0


def _mmps_body(degp_ref, x_ref, w_ref, h2_ref):
    h = jnp.dot(x_ref[...], w_ref[...], preferred_element_type=jnp.float32)
    h2_ref[...] = lax.rsqrt(_deg_col(degp_ref)) * h


def _final_body(degp_ref, acc_ref, h2_ref, b_ref, o_ref):
    dis = lax.rsqrt(_deg_col(degp_ref))
    tot = acc_ref[0] + acc_ref[1] + h2_ref[...]
    o_ref[...] = jnp.maximum(dis * tot + b_ref[...], 0.0)


def kernel(x, edge_index, W, b):
    srcf = edge_index[0].astype(jnp.int32)
    dstf = edge_index[1].astype(jnp.int32)
    dst = dstf.reshape(NW, NCHUNK, K)
    pad_iota = jnp.arange(EPAD - E, dtype=jnp.int32)
    srcp = jnp.concatenate([srcf, N + (pad_iota % 8)])
    dstp = jnp.concatenate([dstf, pad_iota % N])
    edges = jnp.stack([srcp.reshape(NW, NCHA, K),
                       dstp.reshape(NW, NCHA, K)], axis=2)
    zfull = jnp.zeros((N, C), jnp.float32)

    degp = _sc_degree(dst).T

    h2 = pl.pallas_call(
        _mmps_body,
        grid=(N // BM,),
        in_specs=[
            pl.BlockSpec((BM, NW), lambda i: (i, 0)),
            pl.BlockSpec((BM, C), lambda i: (i, 0)),
            pl.BlockSpec((C, C), lambda i: (0, 0)),
        ],
        out_specs=pl.BlockSpec((BM, C), lambda i: (i, 0)),
        out_shape=jax.ShapeDtypeStruct((N, C), jnp.float32),
    )(degp, x, W)

    h2p = jnp.concatenate([h2, jnp.zeros((8, C), jnp.float32)])
    acc = _sc_aggregate(edges, zfull, h2p)

    out = pl.pallas_call(
        _final_body,
        grid=(N // BM,),
        in_specs=[
            pl.BlockSpec((BM, NW), lambda i: (i, 0)),
            pl.BlockSpec((NC, BM, C), lambda i: (0, i, 0)),
            pl.BlockSpec((BM, C), lambda i: (i, 0)),
            pl.BlockSpec((1, C), lambda i: (0, 0)),
        ],
        out_specs=pl.BlockSpec((BM, C), lambda i: (i, 0)),
        out_shape=jax.ShapeDtypeStruct((N, C), jnp.float32),
    )(degp, acc, h2, b.reshape(1, C))

    return out

# --- scband reference (transcript-rebuilt; emitter-appended) ---
"""Pipeline reference for scband-spatial-block-32830730011283 (READ-ONLY COPY).

The authoritative reference and input builder live on the scoring server;
editing this copy changes nothing except your own understanding.
"""

import jax, jax.numpy as jnp
import numpy as np

N_NODES = 10000
N_EDGES = 320000
C_IN = 128
C_OUT = 128


def setup_inputs(seed: int = 0) -> dict:
    key = jax.random.key(seed)
    k_x, k_e, k_w, k_b = jax.random.split(key, 4)
    x = jax.random.normal(k_x, (N_NODES, C_IN), dtype=jnp.float32)
    edge_index = jax.random.randint(k_e, (2, N_EDGES), 0, N_NODES, dtype=jnp.int64)
    # GCNConv learned parameters (glorot-style init for weight, zeros bias)
    limit = float(np.sqrt(6.0 / (C_IN + C_OUT)))
    W = jax.random.uniform(k_w, (C_IN, C_OUT), minval=-limit, maxval=limit, dtype=jnp.float32)
    b = jnp.zeros((C_OUT,), dtype=jnp.float32)
    return {"x": x, "edge_index": edge_index, "W": W, "b": b}


def reference(x, edge_index, W, b):
    # SpatialBlock.forward: relu(GCNConv(x, edge_index))
    # GCNConv: add self-loops, symmetric degree normalization, linear transform,
    # scatter-add aggregation over destination nodes, then bias.
    N = x.shape[0]
    loop = jnp.arange(N, dtype=edge_index.dtype)
    src = jnp.concatenate([edge_index[0], loop])
    dst = jnp.concatenate([edge_index[1], loop])
    # degree of destination nodes (with self-loops)
    deg = jnp.zeros((N,), dtype=x.dtype).at[dst].add(1.0)
    deg_inv_sqrt = jnp.where(deg > 0, jax.lax.rsqrt(deg), 0.0)
    norm = deg_inv_sqrt[src] * deg_inv_sqrt[dst]
    # linear transform then gather messages from source nodes
    h = x @ W
    msgs = h[src] * norm[:, None]
    # scatter-add aggregation into destination nodes
    out = jnp.zeros((N, W.shape[1]), dtype=x.dtype).at[dst].add(msgs)
    out = out + b
    return jax.nn.relu(out)

if __name__ == "__main__":
    import jax
    _d = setup_inputs()
    print(jax.jit(kernel)(*tuple(_d.values())))

</pallas_src>

<mosaic_0001>
#map = affine_map<(d0, d1) -> (0, 0, 0)>
#map1 = affine_map<(d0, d1) -> (0, 0)>
module attributes {stable_mosaic.version = 14 : i64} {
  func.func @_sc_degree(%arg0: i32, %arg1: i32, %arg2: memref<32x125x80xi32, #tpu.memory_space<hbm>>, %arg3: memref<32x10000xf32, #tpu.memory_space<hbm>>, %arg4: memref<125x80xi32, #tpu.memory_space<vmem>>, %arg5: memref<10000xf32, #tpu.memory_space<vmem>>) attributes {dimension_semantics = [#tpu.dimension_semantics<core_parallel>, #tpu.dimension_semantics<subcore_parallel>], iteration_bounds = array<i64: 2, 16>, scalar_prefetch = 0 : i64, scratch_operands = 2 : i64, tpu.core_type = #tpu.core_type<sc_vector_subcore>, window_params = [{transform_indices = #map}, {transform_indices = #map1}]} {
    %mul3A = arith.constant 16 : i32
    %mul3A_0 = arith.muli %arg0, %mul3A : i32
    %add3A = arith.addi %mul3A_0, %arg1 : i32
    "tpu.region"() ({
      %run_scoped3A = tpu.sem_alloc : memref<!tpu.dma_semaphore, #tpu.memory_space<semaphore_mem>>
      %dma_start3A = arith.constant 0 : i32
      %dma_start3A_13 = arith.constant 0 : i32
      %dma_start3A_14 = tpu.memref_slice %arg2[%add3A, %dma_start3A, %dma_start3A_13] : memref<32x125x80xi32, #tpu.memory_space<hbm>> -> memref<1x125x80xi32, #tpu.memory_space<hbm>>
      %dma_start3A_15 = tpu.memref_squeeze %dma_start3A_14 : memref<1x125x80xi32, #tpu.memory_space<hbm>> -> memref<125x80xi32, #tpu.memory_space<hbm>>
      %dma_start3A_16 = arith.constant 0 : i32
      %dma_start3A_17 = arith.constant 0 : i32
      %dma_start3A_18 = tpu.memref_slice %arg2[%add3A, %dma_start3A_16, %dma_start3A_17] : memref<32x125x80xi32, #tpu.memory_space<hbm>> -> memref<1x125x80xi32, #tpu.memory_space<hbm>>
      %dma_start3A_19 = tpu.memref_squeeze %dma_start3A_18 : memref<1x125x80xi32, #tpu.memory_space<hbm>> -> memref<125x80xi32, #tpu.memory_space<hbm>>
      tpu.enqueue_dma source(%dma_start3A_19 : memref<125x80xi32, #tpu.memory_space<hbm>>) target(%arg4 : memref<125x80xi32, #tpu.memory_space<vmem>>) target_semaphore(%run_scoped3A : memref<!tpu.dma_semaphore, #tpu.memory_space<semaphore_mem>>)
      %dma_wait3A = arith.constant 0 : i32
      %dma_wait3A_20 = arith.constant 0 : i32
      %dma_wait3A_21 = tpu.memref_slice %arg2[%add3A, %dma_wait3A, %dma_wait3A_20] : memref<32x125x80xi32, #tpu.memory_space<hbm>> -> memref<1x125x80xi32, #tpu.memory_space<hbm>>
      %dma_wait3A_22 = tpu.memref_squeeze %dma_wait3A_21 : memref<1x125x80xi32, #tpu.memory_space<hbm>> -> memref<125x80xi32, #tpu.memory_space<hbm>>
      %dma_wait3A_23 = arith.constant 0 : i32
      %dma_wait3A_24 = arith.constant 0 : i32
      %dma_wait3A_25 = tpu.memref_slice %arg2[%add3A, %dma_wait3A_23, %dma_wait3A_24] : memref<32x125x80xi32, #tpu.memory_space<hbm>> -> memref<1x125x80xi32, #tpu.memory_space<hbm>>
      %dma_wait3A_26 = tpu.memref_squeeze %dma_wait3A_25 : memref<1x125x80xi32, #tpu.memory_space<hbm>> -> memref<125x80xi32, #tpu.memory_space<hbm>>
      tpu.wait_dma2 semaphore(%run_scoped3A : memref<!tpu.dma_semaphore, #tpu.memory_space<semaphore_mem>>) src(%dma_wait3A_26 : memref<125x80xi32, #tpu.memory_space<hbm>>) dst(%arg4 : memref<125x80xi32, #tpu.memory_space<vmem>>)
      tpu.yield
    }) : () -> ()
    %broadcast_in_dim3A = arith.constant 0.000000e+00 : f32
    %broadcast_in_dim3A_1 = vector.broadcast %broadcast_in_dim3A : f32 to vector<16xf32>
    %scan3A = arith.constant 0 : i32
    %scan3A_2 = arith.constant 625 : i32
    %scan3A_3 = arith.addi %scan3A, %scan3A_2 : i32
    %scan3A_4 = arith.constant 1 : i32
    scf.for %scan3A_13 = %scan3A to %scan3A_3 step %scan3A_4  : i32 {
      %mul3A_14 = arith.constant 1 : i32
      %mul3A_15 = arith.muli %scan3A_13, %mul3A_14 : i32
      %add3A_16 = arith.constant 0 : i32
      %add3A_17 = arith.addi %add3A_16, %mul3A_15 : i32
      %mul3A_18 = arith.constant 16 : i32
      %mul3A_19 = arith.muli %add3A_17, %mul3A_18 : i32
      %swap3A = arith.index_cast %mul3A_19 : i32 to index
      %swap3A_20 = tpu.vector_load %arg5[%swap3A] {strides = array<i32>} : memref<10000xf32, #tpu.memory_space<vmem>>, vector<16xf32>,
      tpu.vector_store %arg5[%swap3A], %broadcast_in_dim3A_1 {strides = array<i32>} : memref<10000xf32, #tpu.memory_space<vmem>>, vector<16xf32>,
    }
    %scan3A_5 = arith.constant 625 : i32
    %broadcast_in_dim3A_6 = arith.constant 1.000000e+00 : f32
    %broadcast_in_dim3A_7 = vector.broadcast %broadcast_in_dim3A_6 : f32 to vector<16xf32>
    %scan3A_8 = arith.constant 0 : i32
    %scan3A_9 = arith.constant 125 : i32
    %scan3A_10 = arith.addi %scan3A_8, %scan3A_9 : i32
    %scan3A_11 = arith.constant 1 : i32
    scf.for %scan3A_13 = %scan3A_8 to %scan3A_10 step %scan3A_11  : i32 {
      %mul3A_14 = arith.constant 1 : i32
      %mul3A_15 = arith.muli %scan3A_13, %mul3A_14 : i32
      %add3A_16 = arith.constant 0 : i32
      %add3A_17 = arith.addi %add3A_16, %mul3A_15 : i32
      %scan3A_18 = arith.constant 0 : i32
      %scan3A_19 = arith.constant 5 : i32
      %scan3A_20 = arith.addi %scan3A_18, %scan3A_19 : i32
      %scan3A_21 = arith.constant 1 : i32
      scf.for %scan3A_23 = %scan3A_18 to %scan3A_20 step %scan3A_21  : i32 {
        %mul3A_24 = arith.constant 1 : i32
        %mul3A_25 = arith.muli %scan3A_23, %mul3A_24 : i32
        %add3A_26 = arith.constant 0 : i32
        %add3A_27 = arith.addi %add3A_26, %mul3A_25 : i32
        %mul3A_28 = arith.constant 16 : i32
        %mul3A_29 = arith.muli %add3A_27, %mul3A_28 : i32
        %get3A = arith.index_cast %add3A_17 : i32 to index
        %get3A_30 = arith.index_cast %mul3A_29 : i32 to index
        %get3A_31 = tpu.vector_load %arg4[%get3A, %get3A_30] {strides = array<i32>} : memref<125x80xi32, #tpu.memory_space<vmem>>, vector<16xi32>,
        tpu.vector_store_idx %arg5[%get3A_31], %broadcast_in_dim3A_7 {add = true} : memref<10000xf32, #tpu.memory_space<vmem>>[vector<16xi32>], vector<16xf32>,
      }
      %scan3A_22 = arith.constant 5 : i32
    }
    %scan3A_12 = arith.constant 125 : i32
    "tpu.region"() ({
      %run_scoped3A = tpu.sem_alloc : memref<!tpu.dma_semaphore, #tpu.memory_space<semaphore_mem>>
      %dma_start3A = arith.constant 0 : i32
      %dma_start3A_13 = tpu.memref_slice %arg3[%add3A, %dma_start3A] : memref<32x10000xf32, #tpu.memory_space<hbm>> -> memref<1x10000xf32, #tpu.memory_space<hbm>>
      %dma_start3A_14 = tpu.memref_squeeze %dma_start3A_13 : memref<1x10000xf32, #tpu.memory_space<hbm>> -> memref<10000xf32, #tpu.memory_space<hbm>>
      %dma_start3A_15 = arith.constant 0 : i32
      %dma_start3A_16 = tpu.memref_slice %arg3[%add3A, %dma_start3A_15] : memref<32x10000xf32, #tpu.memory_space<hbm>> -> memref<1x10000xf32, #tpu.memory_space<hbm>>
      %dma_start3A_17 = tpu.memref_squeeze %dma_start3A_16 : memref<1x10000xf32, #tpu.memory_space<hbm>> -> memref<10000xf32, #tpu.memory_space<hbm>>
      tpu.enqueue_dma source(%arg5 : memref<10000xf32, #tpu.memory_space<vmem>>) target(%dma_start3A_17 : memref<10000xf32, #tpu.memory_space<hbm>>) target_semaphore(%run_scoped3A : memref<!tpu.dma_semaphore, #tpu.memory_space<semaphore_mem>>)
      %dma_wait3A = arith.constant 0 : i32
      %dma_wait3A_18 = tpu.memref_slice %arg3[%add3A, %dma_wait3A] : memref<32x10000xf32, #tpu.memory_space<hbm>> -> memref<1x10000xf32, #tpu.memory_space<hbm>>
      %dma_wait3A_19 = tpu.memref_squeeze %dma_wait3A_18 : memref<1x10000xf32, #tpu.memory_space<hbm>> -> memref<10000xf32, #tpu.memory_space<hbm>>
      %dma_wait3A_20 = arith.constant 0 : i32
      %dma_wait3A_21 = tpu.memref_slice %arg3[%add3A, %dma_wait3A_20] : memref<32x10000xf32, #tpu.memory_space<hbm>> -> memref<1x10000xf32, #tpu.memory_space<hbm>>
      %dma_wait3A_22 = tpu.memref_squeeze %dma_wait3A_21 : memref<1x10000xf32, #tpu.memory_space<hbm>> -> memref<10000xf32, #tpu.memory_space<hbm>>
      tpu.wait_dma2 semaphore(%run_scoped3A : memref<!tpu.dma_semaphore, #tpu.memory_space<semaphore_mem>>) src(%arg5 : memref<10000xf32, #tpu.memory_space<vmem>>) dst(%dma_wait3A_22 : memref<10000xf32, #tpu.memory_space<hbm>>)
      tpu.yield
    }) : () -> ()
    return
  }
}

#map = affine_map<(d0, d1) -> (0, 0, 0, 0)>
#map1 = affine_map<(d0, d1) -> (0, 0)>
#map2 = affine_map<(d0, d1) -> (0, 0, 0)>
module attributes {stable_mosaic.version = 14 : i64} {
  func.func @_sc_aggregate(%arg0: i32, %arg1: i32, %arg2: memref<32x128x2x80xi32, #tpu.memory_space<hbm>>, %arg3: memref<10000x128xf32, #tpu.memory_space<hbm>>, %arg4: memref<10008x128xf32, #tpu.memory_space<hbm>>, %arg5: memref<2x10000x128xf32, #tpu.memory_space<hbm>>, %arg6: memref<2x80xi32, #tpu.memory_space<vmem>>, %arg7: memref<2x80xi32, #tpu.memory_space<vmem>>, %arg8: memref<2x80xi32, #tpu.memory_space<vmem>>, %arg9: memref<2x80xi32, #tpu.memory_space<vmem>>, %arg10: memref<80x128xf32, #tpu.memory_space<vmem>>, %arg11: memref<80x128xf32, #tpu.memory_space<vmem>>, %arg12: memref<10000x128xf32, #tpu.memory_space<vmem_shared>>, %arg13: memref<!tpu.dma_semaphore, #tpu.memory_space<semaphore_mem>>, %arg14: memref<!tpu.dma_semaphore, #tpu.memory_space<semaphore_mem>>, %arg15: memref<!tpu.dma_semaphore, #tpu.memory_space<semaphore_mem>>, %arg16: memref<!tpu.dma_semaphore, #tpu.memory_space<semaphore_mem>>, %arg17: memref<!tpu.dma_semaphore, #tpu.memory_space<semaphore_mem>>, %arg18: memref<!tpu.dma_semaphore, #tpu.memory_space<semaphore_mem>>) attributes {dimension_semantics = [#tpu.dimension_semantics<core_parallel>, #tpu.dimension_semantics<subcore_parallel>], iteration_bounds = array<i64: 2, 16>, scalar_prefetch = 0 : i64, scratch_operands = 13 : i64, tpu.core_type = #tpu.core_type<sc_vector_subcore>, window_params = [{transform_indices = #map}, {transform_indices = #map1}, {transform_indices = #map1}, {transform_indices = #map2}]} {
    %mul3A = arith.constant 16 : i32
    %mul3A_0 = arith.muli %arg0, %mul3A : i32
    %add3A = arith.addi %mul3A_0, %arg1 : i32
    %mul3A_1 = arith.constant 624 : i32
    %mul3A_2 = arith.muli %arg1, %mul3A_1 : i32
    %mul3A_3 = arith.constant 624 : i32
    %mul3A_4 = arith.muli %arg1, %mul3A_3 : i32
    "tpu.region"() ({
      %run_scoped3A = tpu.sem_alloc : memref<!tpu.dma_semaphore, #tpu.memory_space<semaphore_mem>>
      %dma_start3A_119 = arith.constant 0 : i32
      %dma_start3A_120 = tpu.memref_slice %arg12[%mul3A_4, %dma_start3A_119] : memref<10000x128xf32, #tpu.memory_space<vmem_shared>> -> memref<624x128xf32, #tpu.memory_space<vmem_shared>>
      %dma_start3A_121 = arith.constant 0 : i32
      %dma_start3A_122 = tpu.memref_slice %arg3[%mul3A_2, %dma_start3A_121] : memref<10000x128xf32, #tpu.memory_space<hbm>> -> memref<624x128xf32, #tpu.memory_space<hbm>>
      tpu.enqueue_dma source(%dma_start3A_122 : memref<624x128xf32, #tpu.memory_space<hbm>>) target(%dma_start3A_120 : memref<624x128xf32, #tpu.memory_space<vmem_shared>>) target_semaphore(%run_scoped3A : memref<!tpu.dma_semaphore, #tpu.memory_space<semaphore_mem>>)
      %dma_wait3A_123 = arith.constant 0 : i32
      %dma_wait3A_124 = tpu.memref_slice %arg12[%mul3A_4, %dma_wait3A_123] : memref<10000x128xf32, #tpu.memory_space<vmem_shared>> -> memref<624x128xf32, #tpu.memory_space<vmem_shared>>
      %dma_wait3A_125 = arith.constant 0 : i32
      %dma_wait3A_126 = tpu.memref_slice %arg3[%mul3A_2, %dma_wait3A_125] : memref<10000x128xf32, #tpu.memory_space<hbm>> -> memref<624x128xf32, #tpu.memory_space<hbm>>
      tpu.wait_dma2 semaphore(%run_scoped3A : memref<!tpu.dma_semaphore, #tpu.memory_space<semaphore_mem>>) src(%dma_wait3A_126 : memref<624x128xf32, #tpu.memory_space<hbm>>) dst(%dma_wait3A_124 : memref<624x128xf32, #tpu.memory_space<vmem_shared>>)
      tpu.yield
    }) : () -> ()
    %eq3A = arith.constant 15 : i32
    %eq3A_5 = arith.cmpi eq, %arg1, %eq3A : i32
    %convert_element_type3A = arith.extui %eq3A_5 : i1 to i32
    %cond3A = arith.constant 0 : i32
    %cond3A_6 = arith.cmpi ne, %convert_element_type3A, %cond3A : i32
    scf.if %cond3A_6 {
      "tpu.region"() ({
        %run_scoped3A = tpu.sem_alloc : memref<!tpu.dma_semaphore, #tpu.memory_space<semaphore_mem>>
        %dma_start3A_119 = arith.constant 9984 : i32
        %dma_start3A_120 = arith.constant 0 : i32
        %dma_start3A_121 = tpu.memref_slice %arg12[%dma_start3A_119, %dma_start3A_120] : memref<10000x128xf32, #tpu.memory_space<vmem_shared>> -> memref<16x128xf32, #tpu.memory_space<vmem_shared>>
        %dma_start3A_122 = arith.constant 9984 : i32
        %dma_start3A_123 = arith.constant 0 : i32
        %dma_start3A_124 = tpu.memref_slice %arg3[%dma_start3A_122, %dma_start3A_123] : memref<10000x128xf32, #tpu.memory_space<hbm>> -> memref<16x128xf32, #tpu.memory_space<hbm>>
        tpu.enqueue_dma source(%dma_start3A_124 : memref<16x128xf32, #tpu.memory_space<hbm>>) target(%dma_start3A_121 : memref<16x128xf32, #tpu.memory_space<vmem_shared>>) target_semaphore(%run_scoped3A : memref<!tpu.dma_semaphore, #tpu.memory_space<semaphore_mem>>)
        %dma_wait3A_125 = arith.constant 9984 : i32
        %dma_wait3A_126 = arith.constant 0 : i32
        %dma_wait3A_127 = tpu.memref_slice %arg12[%dma_wait3A_125, %dma_wait3A_126] : memref<10000x128xf32, #tpu.memory_space<vmem_shared>> -> memref<16x128xf32, #tpu.memory_space<vmem_shared>>
        %dma_wait3A_128 = arith.constant 9984 : i32
        %dma_wait3A_129 = arith.constant 0 : i32
        %dma_wait3A_130 = tpu.memref_slice %arg3[%dma_wait3A_128, %dma_wait3A_129] : memref<10000x128xf32, #tpu.memory_space<hbm>> -> memref<16x128xf32, #tpu.memory_space<hbm>>
        tpu.wait_dma2 semaphore(%run_scoped3A : memref<!tpu.dma_semaphore, #tpu.memory_space<semaphore_mem>>) src(%dma_wait3A_130 : memref<16x128xf32, #tpu.memory_space<hbm>>) dst(%dma_wait3A_127 : memref<16x128xf32, #tpu.memory_space<vmem_shared>>)
        tpu.yield
      }) : () -> ()
    } else {
    }
    %dma_start3A = arith.constant 0 : i32
    %dma_start3A_7 = arith.constant 0 : i32
    %dma_start3A_8 = arith.constant 0 : i32
    %dma_start3A_9 = tpu.memref_slice %arg2[%add3A, %dma_start3A, %dma_start3A_7, %dma_start3A_8] : memref<32x128x2x80xi32, #tpu.memory_space<hbm>> -> memref<1x1x2x80xi32, #tpu.memory_space<hbm>>
    %dma_start3A_10 = tpu.memref_squeeze %dma_start3A_9 : memref<1x1x2x80xi32, #tpu.memory_space<hbm>> -> memref<2x80xi32, #tpu.memory_space<hbm>>
    %dma_start3A_11 = arith.constant 0 : i32
    %dma_start3A_12 = arith.constant 0 : i32
    %dma_start3A_13 = tpu.memref_slice %arg2[%add3A, %dma_start3A, %dma_start3A_11, %dma_start3A_12] : memref<32x128x2x80xi32, #tpu.memory_space<hbm>> -> memref<1x1x2x80xi32, #tpu.memory_space<hbm>>
    %dma_start3A_14 = tpu.memref_squeeze %dma_start3A_13 : memref<1x1x2x80xi32, #tpu.memory_space<hbm>> -> memref<2x80xi32, #tpu.memory_space<hbm>>
    tpu.enqueue_dma source(%dma_start3A_14 : memref<2x80xi32, #tpu.memory_space<hbm>>) target(%arg6 : memref<2x80xi32, #tpu.memory_space<vmem>>) target_semaphore(%arg13 : memref<!tpu.dma_semaphore, #tpu.memory_space<semaphore_mem>>)
    %dma_start3A_15 = arith.constant 1 : i32
    %dma_start3A_16 = arith.constant 0 : i32
    %dma_start3A_17 = arith.constant 0 : i32
    %dma_start3A_18 = tpu.memref_slice %arg2[%add3A, %dma_start3A_15, %dma_start3A_16, %dma_start3A_17] : memref<32x128x2x80xi32, #tpu.memory_space<hbm>> -> memref<1x1x2x80xi32, #tpu.memory_space<hbm>>
    %dma_start3A_19 = tpu.memref_squeeze %dma_start3A_18 : memref<1x1x2x80xi32, #tpu.memory_space<hbm>> -> memref<2x80xi32, #tpu.memory_space<hbm>>
    %dma_start3A_20 = arith.constant 0 : i32
    %dma_start3A_21 = arith.constant 0 : i32
    %dma_start3A_22 = tpu.memref_slice %arg2[%add3A, %dma_start3A_15, %dma_start3A_20, %dma_start3A_21] : memref<32x128x2x80xi32, #tpu.memory_space<hbm>> -> memref<1x1x2x80xi32, #tpu.memory_space<hbm>>
    %dma_start3A_23 = tpu.memref_squeeze %dma_start3A_22 : memref<1x1x2x80xi32, #tpu.memory_space<hbm>> -> memref<2x80xi32, #tpu.memory_space<hbm>>
    tpu.enqueue_dma source(%dma_start3A_23 : memref<2x80xi32, #tpu.memory_space<hbm>>) target(%arg7 : memref<2x80xi32, #tpu.memory_space<vmem>>) target_semaphore(%arg14 : memref<!tpu.dma_semaphore, #tpu.memory_space<semaphore_mem>>)
    %dma_start3A_24 = arith.constant 2 : i32
    %dma_start3A_25 = arith.constant 0 : i32
    %dma_start3A_26 = arith.constant 0 : i32
    %dma_start3A_27 = tpu.memref_slice %arg2[%add3A, %dma_start3A_24, %dma_start3A_25, %dma_start3A_26] : memref<32x128x2x80xi32, #tpu.memory_space<hbm>> -> memref<1x1x2x80xi32, #tpu.memory_space<hbm>>
    %dma_start3A_28 = tpu.memref_squeeze %dma_start3A_27 : memref<1x1x2x80xi32, #tpu.memory_space<hbm>> -> memref<2x80xi32, #tpu.memory_space<hbm>>
    %dma_start3A_29 = arith.constant 0 : i32
    %dma_start3A_30 = arith.constant 0 : i32
    %dma_start3A_31 = tpu.memref_slice %arg2[%add3A, %dma_start3A_24, %dma_start3A_29, %dma_start3A_30] : memref<32x128x2x80xi32, #tpu.memory_space<hbm>> -> memref<1x1x2x80xi32, #tpu.memory_space<hbm>>
    %dma_start3A_32 = tpu.memref_squeeze %dma_start3A_31 : memref<1x1x2x80xi32, #tpu.memory_space<hbm>> -> memref<2x80xi32, #tpu.memory_space<hbm>>
    tpu.enqueue_dma source(%dma_start3A_32 : memref<2x80xi32, #tpu.memory_space<hbm>>) target(%arg8 : memref<2x80xi32, #tpu.memory_space<vmem>>) target_semaphore(%arg15 : memref<!tpu.dma_semaphore, #tpu.memory_space<semaphore_mem>>)
    %dma_start3A_33 = arith.constant 3 : i32
    %dma_start3A_34 = arith.constant 0 : i32
    %dma_start3A_35 = arith.constant 0 : i32
    %dma_start3A_36 = tpu.memref_slice %arg2[%add3A, %dma_start3A_33, %dma_start3A_34, %dma_start3A_35] : memref<32x128x2x80xi32, #tpu.memory_space<hbm>> -> memref<1x1x2x80xi32, #tpu.memory_space<hbm>>
    %dma_start3A_37 = tpu.memref_squeeze %dma_start3A_36 : memref<1x1x2x80xi32, #tpu.memory_space<hbm>> -> memref<2x80xi32, #tpu.memory_space<hbm>>
    %dma_start3A_38 = arith.constant 0 : i32
    %dma_start3A_39 = arith.constant 0 : i32
    %dma_start3A_40 = tpu.memref_slice %arg2[%add3A, %dma_start3A_33, %dma_start3A_38, %dma_start3A_39] : memref<32x128x2x80xi32, #tpu.memory_space<hbm>> -> memref<1x1x2x80xi32, #tpu.memory_space<hbm>>
    %dma_start3A_41 = tpu.memref_squeeze %dma_start3A_40 : memref<1x1x2x80xi32, #tpu.memory_space<hbm>> -> memref<2x80xi32, #tpu.memory_space<hbm>>
    tpu.enqueue_dma source(%dma_start3A_41 : memref<2x80xi32, #tpu.memory_space<hbm>>) target(%arg9 : memref<2x80xi32, #tpu.memory_space<vmem>>) target_semaphore(%arg16 : memref<!tpu.dma_semaphore, #tpu.memory_space<semaphore_mem>>)
    %barrier3A = arith.constant 0 : index
    tpu.barrier barrier_id(%barrier3A)
    %dma_wait3A = arith.constant 0 : i32
    %dma_wait3A_42 = arith.constant 0 : i32
    %dma_wait3A_43 = arith.constant 0 : i32
    %dma_wait3A_44 = tpu.memref_slice %arg2[%add3A, %dma_wait3A, %dma_wait3A_42, %dma_wait3A_43] : memref<32x128x2x80xi32, #tpu.memory_space<hbm>> -> memref<1x1x2x80xi32, #tpu.memory_space<hbm>>
    %dma_wait3A_45 = tpu.memref_squeeze %dma_wait3A_44 : memref<1x1x2x80xi32, #tpu.memory_space<hbm>> -> memref<2x80xi32, #tpu.memory_space<hbm>>
    %dma_wait3A_46 = arith.constant 0 : i32
    %dma_wait3A_47 = arith.constant 0 : i32
    %dma_wait3A_48 = tpu.memref_slice %arg2[%add3A, %dma_wait3A, %dma_wait3A_46, %dma_wait3A_47] : memref<32x128x2x80xi32, #tpu.memory_space<hbm>> -> memref<1x1x2x80xi32, #tpu.memory_space<hbm>>
    %dma_wait3A_49 = tpu.memref_squeeze %dma_wait3A_48 : memref<1x1x2x80xi32, #tpu.memory_space<hbm>> -> memref<2x80xi32, #tpu.memory_space<hbm>>
    tpu.wait_dma2 semaphore(%arg13 : memref<!tpu.dma_semaphore, #tpu.memory_space<semaphore_mem>>) src(%dma_wait3A_49 : memref<2x80xi32, #tpu.memory_space<hbm>>) dst(%arg6 : memref<2x80xi32, #tpu.memory_space<vmem>>)
    %dma_start3A_50 = arith.constant 0 : i32
    %dma_start3A_51 = arith.constant 0 : i32
    %dma_start3A_52 = tpu.memref_slice %arg6[%dma_start3A_50, %dma_start3A_51] : memref<2x80xi32, #tpu.memory_space<vmem>> -> memref<1x80xi32, #tpu.memory_space<vmem>>
    %dma_start3A_53 = tpu.memref_squeeze %dma_start3A_52 : memref<1x80xi32, #tpu.memory_space<vmem>> -> memref<80xi32, #tpu.memory_space<vmem>>
    %dma_start3A_54 = arith.constant 0 : i32
    %dma_start3A_55 = arith.constant 0 : i32
    %dma_start3A_56 = tpu.memref_slice %arg4[%dma_start3A_54, %dma_start3A_55] : memref<10008x128xf32, #tpu.memory_space<hbm>> -> memref<10008x128xf32, #tpu.memory_space<hbm>>
    tpu.enqueue_indirect_dma source(%dma_start3A_56 : memref<10008x128xf32, #tpu.memory_space<hbm>>) target(%arg10 : memref<80x128xf32, #tpu.memory_space<vmem>>) offsets(%dma_start3A_53 : memref<80xi32, #tpu.memory_space<vmem>>) semaphore(%arg17 : memref<!tpu.dma_semaphore, #tpu.memory_space<semaphore_mem>>)
    %dma_wait3A_57 = arith.constant 1 : i32
    %dma_wait3A_58 = arith.constant 0 : i32
    %dma_wait3A_59 = arith.constant 0 : i32
    %dma_wait3A_60 = tpu.memref_slice %arg2[%add3A, %dma_wait3A_57, %dma_wait3A_58, %dma_wait3A_59] : memref<32x128x2x80xi32, #tpu.memory_space<hbm>> -> memref<1x1x2x80xi32, #tpu.memory_space<hbm>>
    %dma_wait3A_61 = tpu.memref_squeeze %dma_wait3A_60 : memref<1x1x2x80xi32, #tpu.memory_space<hbm>> -> memref<2x80xi32, #tpu.memory_space<hbm>>
    %dma_wait3A_62 = arith.constant 0 : i32
    %dma_wait3A_63 = arith.constant 0 : i32
    %dma_wait3A_64 = tpu.memref_slice %arg2[%add3A, %dma_wait3A_57, %dma_wait3A_62, %dma_wait3A_63] : memref<32x128x2x80xi32, #tpu.memory_space<hbm>> -> memref<1x1x2x80xi32, #tpu.memory_space<hbm>>
    %dma_wait3A_65 = tpu.memref_squeeze %dma_wait3A_64 : memref<1x1x2x80xi32, #tpu.memory_space<hbm>> -> memref<2x80xi32, #tpu.memory_space<hbm>>
    tpu.wait_dma2 semaphore(%arg14 : memref<!tpu.dma_semaphore, #tpu.memory_space<semaphore_mem>>) src(%dma_wait3A_65 : memref<2x80xi32, #tpu.memory_space<hbm>>) dst(%arg7 : memref<2x80xi32, #tpu.memory_space<vmem>>)
    %dma_start3A_66 = arith.constant 0 : i32
    %dma_start3A_67 = arith.constant 0 : i32
    %dma_start3A_68 = tpu.memref_slice %arg7[%dma_start3A_66, %dma_start3A_67] : memref<2x80xi32, #tpu.memory_space<vmem>> -> memref<1x80xi32, #tpu.memory_space<vmem>>
    %dma_start3A_69 = tpu.memref_squeeze %dma_start3A_68 : memref<1x80xi32, #tpu.memory_space<vmem>> -> memref<80xi32, #tpu.memory_space<vmem>>
    %dma_start3A_70 = arith.constant 0 : i32
    %dma_start3A_71 = arith.constant 0 : i32
    %dma_start3A_72 = tpu.memref_slice %arg4[%dma_start3A_70, %dma_start3A_71] : memref<10008x128xf32, #tpu.memory_space<hbm>> -> memref<10008x128xf32, #tpu.memory_space<hbm>>
    tpu.enqueue_indirect_dma source(%dma_start3A_72 : memref<10008x128xf32, #tpu.memory_space<hbm>>) target(%arg11 : memref<80x128xf32, #tpu.memory_space<vmem>>) offsets(%dma_start3A_69 : memref<80xi32, #tpu.memory_space<vmem>>) semaphore(%arg18 : memref<!tpu.dma_semaphore, #tpu.memory_space<semaphore_mem>>)
    %scan3A = arith.constant 0 : i32
    %scan3A_73 = arith.constant 32 : i32
    %scan3A_74 = arith.addi %scan3A, %scan3A_73 : i32
    %scan3A_75 = arith.constant 1 : i32
    scf.for %scan3A_119 = %scan3A to %scan3A_74 step %scan3A_75  : i32 {
      %mul3A_120 = arith.constant 1 : i32
      %mul3A_121 = arith.muli %scan3A_119, %mul3A_120 : i32
      %add3A_122 = arith.constant 0 : i32
      %add3A_123 = arith.addi %add3A_122, %mul3A_121 : i32
      %mul3A_124 = arith.constant 4 : i32
      %mul3A_125 = arith.muli %mul3A_124, %add3A_123 : i32
      %add3A_126 = arith.constant 0 : i32
      %add3A_127 = arith.addi %mul3A_125, %add3A_126 : i32
      %add3A_128 = arith.constant 4 : i32
      %add3A_129 = arith.addi %add3A_127, %add3A_128 : i32
      %ge3A = arith.constant 128 : i32
      %ge3A_130 = arith.cmpi sge, %add3A_129, %ge3A : i32
      %add3A_131 = arith.constant 4 : i32
      %add3A_132 = arith.addi %add3A_127, %add3A_131 : i32
      %sub3A = arith.constant 128 : i32
      %sub3A_133 = arith.subi %add3A_132, %sub3A : i32
      %add3A_134 = arith.constant 4 : i32
      %add3A_135 = arith.addi %add3A_127, %add3A_134 : i32
      %select_n3A = arith.select %ge3A_130, %sub3A_133, %add3A_135 : i32
      %add3A_136 = arith.constant 2 : i32
      %add3A_137 = arith.addi %add3A_127, %add3A_136 : i32
      %ge3A_138 = arith.constant 128 : i32
      %ge3A_139 = arith.cmpi sge, %add3A_137, %ge3A_138 : i32
      %add3A_140 = arith.constant 2 : i32
      %add3A_141 = arith.addi %add3A_127, %add3A_140 : i32
      %sub3A_142 = arith.constant 128 : i32
      %sub3A_143 = arith.subi %add3A_141, %sub3A_142 : i32
      %add3A_144 = arith.constant 2 : i32
      %add3A_145 = arith.addi %add3A_127, %add3A_144 : i32
      %select_n3A_146 = arith.select %ge3A_139, %sub3A_143, %add3A_145 : i32
      %dma_wait3A_147 = arith.constant 0 : i32
      %dma_wait3A_148 = arith.constant 0 : i32
      %dma_wait3A_149 = tpu.memref_slice %arg6[%dma_wait3A_147, %dma_wait3A_148] : memref<2x80xi32, #tpu.memory_space<vmem>> -> memref<1x80xi32, #tpu.memory_space<vmem>>
      %dma_wait3A_150 = tpu.memref_squeeze %dma_wait3A_149 : memref<1x80xi32, #tpu.memory_space<vmem>> -> memref<80xi32, #tpu.memory_space<vmem>>
      %dma_wait3A_151 = arith.constant 0 : i32
      %dma_wait3A_152 = arith.constant 0 : i32
      %dma_wait3A_153 = tpu.memref_slice %arg4[%dma_wait3A_151, %dma_wait3A_152] : memref<10008x128xf32, #tpu.memory_space<hbm>> -> memref<10008x128xf32, #tpu.memory_space<hbm>>
      tpu.wait_indirect_dma semaphore(%arg17 : memref<!tpu.dma_semaphore, #tpu.memory_space<semaphore_mem>>) src(%dma_wait3A_153 : memref<10008x128xf32, #tpu.memory_space<hbm>>) dst(%arg10 : memref<80x128xf32, #tpu.memory_space<vmem>>)
      %run_scoped3A = arith.constant 1 : i32
      "tpu.region"() ({
        %run_scoped3A_342 = tpu.sem_alloc : memref<!tpu.dma_semaphore, #tpu.memory_space<semaphore_mem>>
        %dma_start3A_343 = arith.constant 0 : i32
        %dma_start3A_344 = tpu.memref_slice %arg6[%run_scoped3A, %dma_start3A_343] : memref<2x80xi32, #tpu.memory_space<vmem>> -> memref<1x80xi32, #tpu.memory_space<vmem>>
        %dma_start3A_345 = tpu.memref_squeeze %dma_start3A_344 : memref<1x80xi32, #tpu.memory_space<vmem>> -> memref<80xi32, #tpu.memory_space<vmem>>
        %dma_start3A_346 = arith.constant 0 : i32
        %dma_start3A_347 = arith.constant 0 : i32
        %dma_start3A_348 = tpu.memref_slice %arg12[%dma_start3A_346, %dma_start3A_347] : memref<10000x128xf32, #tpu.memory_space<vmem_shared>> -> memref<10000x128xf32, #tpu.memory_space<vmem_shared>>
        tpu.enqueue_indirect_dma source(%arg10 : memref<80x128xf32, #tpu.memory_space<vmem>>) target(%dma_start3A_348 : memref<10000x128xf32, #tpu.memory_space<vmem_shared>>) offsets(%dma_start3A_345 : memref<80xi32, #tpu.memory_space<vmem>>) semaphore(%run_scoped3A_342 : memref<!tpu.dma_semaphore, #tpu.memory_space<semaphore_mem>>) {add = true}
        %dma_wait3A_349 = arith.constant 0 : i32
        %dma_wait3A_350 = tpu.memref_slice %arg6[%run_scoped3A, %dma_wait3A_349] : memref<2x80xi32, #tpu.memory_space<vmem>> -> memref<1x80xi32, #tpu.memory_space<vmem>>
        %dma_wait3A_351 = tpu.memref_squeeze %dma_wait3A_350 : memref<1x80xi32, #tpu.memory_space<vmem>> -> memref<80xi32, #tpu.memory_space<vmem>>
        %dma_wait3A_352 = arith.constant 0 : i32
        %dma_wait3A_353 = arith.constant 0 : i32
        %dma_wait3A_354 = tpu.memref_slice %arg12[%dma_wait3A_352, %dma_wait3A_353] : memref<10000x128xf32, #tpu.memory_space<vmem_shared>> -> memref<10000x128xf32, #tpu.memory_space<vmem_shared>>
        tpu.wait_indirect_dma semaphore(%run_scoped3A_342 : memref<!tpu.dma_semaphore, #tpu.memory_space<semaphore_mem>>) src(%arg10 : memref<80x128xf32, #tpu.memory_space<vmem>>) dst(%dma_wait3A_354 : memref<10000x128xf32, #tpu.memory_space<vmem_shared>>)
        tpu.yield
      }) : () -> ()
      %dma_start3A_154 = arith.constant 0 : i32
      %dma_start3A_155 = arith.constant 0 : i32
      %dma_start3A_156 = tpu.memref_slice %arg2[%add3A, %select_n3A, %dma_start3A_154, %dma_start3A_155] : memref<32x128x2x80xi32, #tpu.memory_space<hbm>> -> memref<1x1x2x80xi32, #tpu.memory_space<hbm>>
      %dma_start3A_157 = tpu.memref_squeeze %dma_start3A_156 : memref<1x1x2x80xi32, #tpu.memory_space<hbm>> -> memref<2x80xi32, #tpu.memory_space<hbm>>
      %dma_start3A_158 = arith.constant 0 : i32
      %dma_start3A_159 = arith.constant 0 : i32
      %dma_start3A_160 = tpu.memref_slice %arg2[%add3A, %select_n3A, %dma_start3A_158, %dma_start3A_159] : memref<32x128x2x80xi32, #tpu.memory_space<hbm>> -> memref<1x1x2x80xi32, #tpu.memory_space<hbm>>
      %dma_start3A_161 = tpu.memref_squeeze %dma_start3A_160 : memref<1x1x2x80xi32, #tpu.memory_space<hbm>> -> memref<2x80xi32, #tpu.memory_space<hbm>>
      tpu.enqueue_dma source(%dma_start3A_161 : memref<2x80xi32, #tpu.memory_space<hbm>>) target(%arg6 : memref<2x80xi32, #tpu.memory_space<vmem>>) target_semaphore(%arg13 : memref<!tpu.dma_semaphore, #tpu.memory_space<semaphore_mem>>)
      %dma_wait3A_162 = arith.constant 0 : i32
      %dma_wait3A_163 = arith.constant 0 : i32
      %dma_wait3A_164 = tpu.memref_slice %arg2[%add3A, %select_n3A_146, %dma_wait3A_162, %dma_wait3A_163] : memref<32x128x2x80xi32, #tpu.memory_space<hbm>> -> memref<1x1x2x80xi32, #tpu.memory_space<hbm>>
      %dma_wait3A_165 = tpu.memref_squeeze %dma_wait3A_164 : memref<1x1x2x80xi32, #tpu.memory_space<hbm>> -> memref<2x80xi32, #tpu.memory_space<hbm>>
      %dma_wait3A_166 = arith.constant 0 : i32
      %dma_wait3A_167 = arith.constant 0 : i32
      %dma_wait3A_168 = tpu.memref_slice %arg2[%add3A, %select_n3A_146, %dma_wait3A_166, %dma_wait3A_167] : memref<32x128x2x80xi32, #tpu.memory_space<hbm>> -> memref<1x1x2x80xi32, #tpu.memory_space<hbm>>
      %dma_wait3A_169 = tpu.memref_squeeze %dma_wait3A_168 : memref<1x1x2x80xi32, #tpu.memory_space<hbm>> -> memref<2x80xi32, #tpu.memory_space<hbm>>
      tpu.wait_dma2 semaphore(%arg15 : memref<!tpu.dma_semaphore, #tpu.memory_space<semaphore_mem>>) src(%dma_wait3A_169 : memref<2x80xi32, #tpu.memory_space<hbm>>) dst(%arg8 : memref<2x80xi32, #tpu.memory_space<vmem>>)
      %dma_start3A_170 = arith.constant 0 : i32
      %dma_start3A_171 = arith.constant 0 : i32
      %dma_start3A_172 = tpu.memref_slice %arg8[%dma_start3A_170, %dma_start3A_171] : memref<2x80xi32, #tpu.memory_space<vmem>> -> memref<1x80xi32, #tpu.memory_space<vmem>>
      %dma_start3A_173 = tpu.memref_squeeze %dma_start3A_172 : memref<1x80xi32, #tpu.memory_space<vmem>> -> memref<80xi32, #tpu.memory_space<vmem>>
      %dma_start3A_174 = arith.constant 0 : i32
      %dma_start3A_175 = arith.constant 0 : i32
      %dma_start3A_176 = tpu.memref_slice %arg4[%dma_start3A_174, %dma_start3A_175] : memref<10008x128xf32, #tpu.memory_space<hbm>> -> memref<10008x128xf32, #tpu.memory_space<hbm>>
      tpu.enqueue_indirect_dma source(%dma_start3A_176 : memref<10008x128xf32, #tpu.memory_space<hbm>>) target(%arg10 : memref<80x128xf32, #tpu.memory_space<vmem>>) offsets(%dma_start3A_173 : memref<80xi32, #tpu.memory_space<vmem>>) semaphore(%arg17 : memref<!tpu.dma_semaphore, #tpu.memory_space<semaphore_mem>>)
      %add3A_177 = arith.constant 1 : i32
      %add3A_178 = arith.addi %mul3A_125, %add3A_177 : i32
      %add3A_179 = arith.constant 4 : i32
      %add3A_180 = arith.addi %add3A_178, %add3A_179 : i32
      %ge3A_181 = arith.constant 128 : i32
      %ge3A_182 = arith.cmpi sge, %add3A_180, %ge3A_181 : i32
      %add3A_183 = arith.constant 4 : i32
      %add3A_184 = arith.addi %add3A_178, %add3A_183 : i32
      %sub3A_185 = arith.constant 128 : i32
      %sub3A_186 = arith.subi %add3A_184, %sub3A_185 : i32
      %add3A_187 = arith.constant 4 : i32
      %add3A_188 = arith.addi %add3A_178, %add3A_187 : i32
      %select_n3A_189 = arith.select %ge3A_182, %sub3A_186, %add3A_188 : i32
      %add3A_190 = arith.constant 2 : i32
      %add3A_191 = arith.addi %add3A_178, %add3A_190 : i32
      %ge3A_192 = arith.constant 128 : i32
      %ge3A_193 = arith.cmpi sge, %add3A_191, %ge3A_192 : i32
      %add3A_194 = arith.constant 2 : i32
      %add3A_195 = arith.addi %add3A_178, %add3A_194 : i32
      %sub3A_196 = arith.constant 128 : i32
      %sub3A_197 = arith.subi %add3A_195, %sub3A_196 : i32
      %add3A_198 = arith.constant 2 : i32
      %add3A_199 = arith.addi %add3A_178, %add3A_198 : i32
      %select_n3A_200 = arith.select %ge3A_193, %sub3A_197, %add3A_199 : i32
      %dma_wait3A_201 = arith.constant 0 : i32
      %dma_wait3A_202 = arith.constant 0 : i32
      %dma_wait3A_203 = tpu.memref_slice %arg7[%dma_wait3A_201, %dma_wait3A_202] : memref<2x80xi32, #tpu.memory_space<vmem>> -> memref<1x80xi32, #tpu.memory_space<vmem>>
      %dma_wait3A_204 = tpu.memref_squeeze %dma_wait3A_203 : memref<1x80xi32, #tpu.memory_space<vmem>> -> memref<80xi32, #tpu.memory_space<vmem>>
      %dma_wait3A_205 = arith.constant 0 : i32
      %dma_wait3A_206 = arith.constant 0 : i32
      %dma_wait3A_207 = tpu.memref_slice %arg4[%dma_wait3A_205, %dma_wait3A_206] : memref<10008x128xf32, #tpu.memory_space<hbm>> -> memref<10008x128xf32, #tpu.memory_space<hbm>>
      tpu.wait_indirect_dma semaphore(%arg18 : memref<!tpu.dma_semaphore, #tpu.memory_space<semaphore_mem>>) src(%dma_wait3A_207 : memref<10008x128xf32, #tpu.memory_space<hbm>>) dst(%arg11 : memref<80x128xf32, #tpu.memory_space<vmem>>)
      %run_scoped3A_208 = arith.constant 1 : i32
      "tpu.region"() ({
        %run_scoped3A_342 = tpu.sem_alloc : memref<!tpu.dma_semaphore, #tpu.memory_space<semaphore_mem>>
        %dma_start3A_343 = arith.constant 0 : i32
        %dma_start3A_344 = tpu.memref_slice %arg7[%run_scoped3A_208, %dma_start3A_343] : memref<2x80xi32, #tpu.memory_space<vmem>> -> memref<1x80xi32, #tpu.memory_space<vmem>>
        %dma_start3A_345 = tpu.memref_squeeze %dma_start3A_344 : memref<1x80xi32, #tpu.memory_space<vmem>> -> memref<80xi32, #tpu.memory_space<vmem>>
        %dma_start3A_346 = arith.constant 0 : i32
        %dma_start3A_347 = arith.constant 0 : i32
        %dma_start3A_348 = tpu.memref_slice %arg12[%dma_start3A_346, %dma_start3A_347] : memref<10000x128xf32, #tpu.memory_space<vmem_shared>> -> memref<10000x128xf32, #tpu.memory_space<vmem_shared>>
        tpu.enqueue_indirect_dma source(%arg11 : memref<80x128xf32, #tpu.memory_space<vmem>>) target(%dma_start3A_348 : memref<10000x128xf32, #tpu.memory_space<vmem_shared>>) offsets(%dma_start3A_345 : memref<80xi32, #tpu.memory_space<vmem>>) semaphore(%run_scoped3A_342 : memref<!tpu.dma_semaphore, #tpu.memory_space<semaphore_mem>>) {add = true}
        %dma_wait3A_349 = arith.constant 0 : i32
        %dma_wait3A_350 = tpu.memref_slice %arg7[%run_scoped3A_208, %dma_wait3A_349] : memref<2x80xi32, #tpu.memory_space<vmem>> -> memref<1x80xi32, #tpu.memory_space<vmem>>
        %dma_wait3A_351 = tpu.memref_squeeze %dma_wait3A_350 : memref<1x80xi32, #tpu.memory_space<vmem>> -> memref<80xi32, #tpu.memory_space<vmem>>
        %dma_wait3A_352 = arith.constant 0 : i32
        %dma_wait3A_353 = arith.constant 0 : i32
        %dma_wait3A_354 = tpu.memref_slice %arg12[%dma_wait3A_352, %dma_wait3A_353] : memref<10000x128xf32, #tpu.memory_space<vmem_shared>> -> memref<10000x128xf32, #tpu.memory_space<vmem_shared>>
        tpu.wait_indirect_dma semaphore(%run_scoped3A_342 : memref<!tpu.dma_semaphore, #tpu.memory_space<semaphore_mem>>) src(%arg11 : memref<80x128xf32, #tpu.memory_space<vmem>>) dst(%dma_wait3A_354 : memref<10000x128xf32, #tpu.memory_space<vmem_shared>>)
        tpu.yield
      }) : () -> ()
      %dma_start3A_209 = arith.constant 0 : i32
      %dma_start3A_210 = arith.constant 0 : i32
      %dma_start3A_211 = tpu.memref_slice %arg2[%add3A, %select_n3A_189, %dma_start3A_209, %dma_start3A_210] : memref<32x128x2x80xi32, #tpu.memory_space<hbm>> -> memref<1x1x2x80xi32, #tpu.memory_space<hbm>>
      %dma_start3A_212 = tpu.memref_squeeze %dma_start3A_211 : memref<1x1x2x80xi32, #tpu.memory_space<hbm>> -> memref<2x80xi32, #tpu.memory_space<hbm>>
      %dma_start3A_213 = arith.constant 0 : i32
      %dma_start3A_214 = arith.constant 0 : i32
      %dma_start3A_215 = tpu.memref_slice %arg2[%add3A, %select_n3A_189, %dma_start3A_213, %dma_start3A_214] : memref<32x128x2x80xi32, #tpu.memory_space<hbm>> -> memref<1x1x2x80xi32, #tpu.memory_space<hbm>>
      %dma_start3A_216 = tpu.memref_squeeze %dma_start3A_215 : memref<1x1x2x80xi32, #tpu.memory_space<hbm>> -> memref<2x80xi32, #tpu.memory_space<hbm>>
      tpu.enqueue_dma source(%dma_start3A_216 : memref<2x80xi32, #tpu.memory_space<hbm>>) target(%arg7 : memref<2x80xi32, #tpu.memory_space<vmem>>) target_semaphore(%arg14 : memref<!tpu.dma_semaphore, #tpu.memory_space<semaphore_mem>>)
      %dma_wait3A_217 = arith.constant 0 : i32
      %dma_wait3A_218 = arith.constant 0 : i32
      %dma_wait3A_219 = tpu.memref_slice %arg2[%add3A, %select_n3A_200, %dma_wait3A_217, %dma_wait3A_218] : memref<32x128x2x80xi32, #tpu.memory_space<hbm>> -> memref<1x1x2x80xi32, #tpu.memory_space<hbm>>
      %dma_wait3A_220 = tpu.memref_squeeze %dma_wait3A_219 : memref<1x1x2x80xi32, #tpu.memory_space<hbm>> -> memref<2x80xi32, #tpu.memory_space<hbm>>
      %dma_wait3A_221 = arith.constant 0 : i32
      %dma_wait3A_222 = arith.constant 0 : i32
      %dma_wait3A_223 = tpu.memref_slice %arg2[%add3A, %select_n3A_200, %dma_wait3A_221, %dma_wait3A_222] : memref<32x128x2x80xi32, #tpu.memory_space<hbm>> -> memref<1x1x2x80xi32, #tpu.memory_space<hbm>>
      %dma_wait3A_224 = tpu.memref_squeeze %dma_wait3A_223 : memref<1x1x2x80xi32, #tpu.memory_space<hbm>> -> memref<2x80xi32, #tpu.memory_space<hbm>>
      tpu.wait_dma2 semaphore(%arg16 : memref<!tpu.dma_semaphore, #tpu.memory_space<semaphore_mem>>) src(%dma_wait3A_224 : memref<2x80xi32, #tpu.memory_space<hbm>>) dst(%arg9 : memref<2x80xi32, #tpu.memory_space<vmem>>)
      %dma_start3A_225 = arith.constant 0 : i32
      %dma_start3A_226 = arith.constant 0 : i32
      %dma_start3A_227 = tpu.memref_slice %arg9[%dma_start3A_225, %dma_start3A_226] : memref<2x80xi32, #tpu.memory_space<vmem>> -> memref<1x80xi32, #tpu.memory_space<vmem>>
      %dma_start3A_228 = tpu.memref_squeeze %dma_start3A_227 : memref<1x80xi32, #tpu.memory_space<vmem>> -> memref<80xi32, #tpu.memory_space<vmem>>
      %dma_start3A_229 = arith.constant 0 : i32
      %dma_start3A_230 = arith.constant 0 : i32
      %dma_start3A_231 = tpu.memref_slice %arg4[%dma_start3A_229, %dma_start3A_230] : memref<10008x128xf32, #tpu.memory_space<hbm>> -> memref<10008x128xf32, #tpu.memory_space<hbm>>
      tpu.enqueue_indirect_dma source(%dma_start3A_231 : memref<10008x128xf32, #tpu.memory_space<hbm>>) target(%arg11 : memref<80x128xf32, #tpu.memory_space<vmem>>) offsets(%dma_start3A_228 : memref<80xi32, #tpu.memory_space<vmem>>) semaphore(%arg18 : memref<!tpu.dma_semaphore, #tpu.memory_space<semaphore_mem>>)
      %add3A_232 = arith.constant 2 : i32
      %add3A_233 = arith.addi %mul3A_125, %add3A_232 : i32
      %add3A_234 = arith.constant 4 : i32
      %add3A_235 = arith.addi %add3A_233, %add3A_234 : i32
      %ge3A_236 = arith.constant 128 : i32
      %ge3A_237 = arith.cmpi sge, %add3A_235, %ge3A_236 : i32
      %add3A_238 = arith.constant 4 : i32
      %add3A_239 = arith.addi %add3A_233, %add3A_238 : i32
      %sub3A_240 = arith.constant 128 : i32
      %sub3A_241 = arith.subi %add3A_239, %sub3A_240 : i32
      %add3A_242 = arith.constant 4 : i32
      %add3A_243 = arith.addi %add3A_233, %add3A_242 : i32
      %select_n3A_244 = arith.select %ge3A_237, %sub3A_241, %add3A_243 : i32
      %add3A_245 = arith.constant 2 : i32
      %add3A_246 = arith.addi %add3A_233, %add3A_245 : i32
      %ge3A_247 = arith.constant 128 : i32
      %ge3A_248 = arith.cmpi sge, %add3A_246, %ge3A_247 : i32
      %add3A_249 = arith.constant 2 : i32
      %add3A_250 = arith.addi %add3A_233, %add3A_249 : i32
      %sub3A_251 = arith.constant 128 : i32
      %sub3A_252 = arith.subi %add3A_250, %sub3A_251 : i32
      %add3A_253 = arith.constant 2 : i32
      %add3A_254 = arith.addi %add3A_233, %add3A_253 : i32
      %select_n3A_255 = arith.select %ge3A_248, %sub3A_252, %add3A_254 : i32
      %dma_wait3A_256 = arith.constant 0 : i32
      %dma_wait3A_257 = arith.constant 0 : i32
      %dma_wait3A_258 = tpu.memref_slice %arg8[%dma_wait3A_256, %dma_wait3A_257] : memref<2x80xi32, #tpu.memory_space<vmem>> -> memref<1x80xi32, #tpu.memory_space<vmem>>
      %dma_wait3A_259 = tpu.memref_squeeze %dma_wait3A_258 : memref<1x80xi32, #tpu.memory_space<vmem>> -> memref<80xi32, #tpu.memory_space<vmem>>
      %dma_wait3A_260 = arith.constant 0 : i32
      %dma_wait3A_261 = arith.constant 0 : i32
      %dma_wait3A_262 = tpu.memref_slice %arg4[%dma_wait3A_260, %dma_wait3A_261] : memref<10008x128xf32, #tpu.memory_space<hbm>> -> memref<10008x128xf32, #tpu.memory_space<hbm>>
      tpu.wait_indirect_dma semaphore(%arg17 : memref<!tpu.dma_semaphore, #tpu.memory_space<semaphore_mem>>) src(%dma_wait3A_262 : memref<10008x128xf32, #tpu.memory_space<hbm>>) dst(%arg10 : memref<80x128xf32, #tpu.memory_space<vmem>>)
      %run_scoped3A_263 = arith.constant 1 : i32
      "tpu.region"() ({
        %run_scoped3A_342 = tpu.sem_alloc : memref<!tpu.dma_semaphore, #tpu.memory_space<semaphore_mem>>
        %dma_start3A_343 = arith.constant 0 : i32
        %dma_start3A_344 = tpu.memref_slice %arg8[%run_scoped3A_263, %dma_start3A_343] : memref<2x80xi32, #tpu.memory_space<vmem>> -> memref<1x80xi32, #tpu.memory_space<vmem>>
        %dma_start3A_345 = tpu.memref_squeeze %dma_start3A_344 : memref<1x80xi32, #tpu.memory_space<vmem>> -> memref<80xi32, #tpu.memory_space<vmem>>
        %dma_start3A_346 = arith.constant 0 : i32
        %dma_start3A_347 = arith.constant 0 : i32
        %dma_start3A_348 = tpu.memref_slice %arg12[%dma_start3A_346, %dma_start3A_347] : memref<10000x128xf32, #tpu.memory_space<vmem_shared>> -> memref<10000x128xf32, #tpu.memory_space<vmem_shared>>
        tpu.enqueue_indirect_dma source(%arg10 : memref<80x128xf32, #tpu.memory_space<vmem>>) target(%dma_start3A_348 : memref<10000x128xf32, #tpu.memory_space<vmem_shared>>) offsets(%dma_start3A_345 : memref<80xi32, #tpu.memory_space<vmem>>) semaphore(%run_scoped3A_342 : memref<!tpu.dma_semaphore, #tpu.memory_space<semaphore_mem>>) {add = true}
        %dma_wait3A_349 = arith.constant 0 : i32
        %dma_wait3A_350 = tpu.memref_slice %arg8[%run_scoped3A_263, %dma_wait3A_349] : memref<2x80xi32, #tpu.memory_space<vmem>> -> memref<1x80xi32, #tpu.memory_space<vmem>>
        %dma_wait3A_351 = tpu.memref_squeeze %dma_wait3A_350 : memref<1x80xi32, #tpu.memory_space<vmem>> -> memref<80xi32, #tpu.memory_space<vmem>>
        %dma_wait3A_352 = arith.constant 0 : i32
        %dma_wait3A_353 = arith.constant 0 : i32
        %dma_wait3A_354 = tpu.memref_slice %arg12[%dma_wait3A_352, %dma_wait3A_353] : memref<10000x128xf32, #tpu.memory_space<vmem_shared>> -> memref<10000x128xf32, #tpu.memory_space<vmem_shared>>
        tpu.wait_indirect_dma semaphore(%run_scoped3A_342 : memref<!tpu.dma_semaphore, #tpu.memory_space<semaphore_mem>>) src(%arg10 : memref<80x128xf32, #tpu.memory_space<vmem>>) dst(%dma_wait3A_354 : memref<10000x128xf32, #tpu.memory_space<vmem_shared>>)
        tpu.yield
      }) : () -> ()
      %dma_start3A_264 = arith.constant 0 : i32
      %dma_start3A_265 = arith.constant 0 : i32
      %dma_start3A_266 = tpu.memref_slice %arg2[%add3A, %select_n3A_244, %dma_start3A_264, %dma_start3A_265] : memref<32x128x2x80xi32, #tpu.memory_space<hbm>> -> memref<1x1x2x80xi32, #tpu.memory_space<hbm>>
      %dma_start3A_267 = tpu.memref_squeeze %dma_start3A_266 : memref<1x1x2x80xi32, #tpu.memory_space<hbm>> -> memref<2x80xi32, #tpu.memory_space<hbm>>
      %dma_start3A_268 = arith.constant 0 : i32
      %dma_start3A_269 = arith.constant 0 : i32
      %dma_start3A_270 = tpu.memref_slice %arg2[%add3A, %select_n3A_244, %dma_start3A_268, %dma_start3A_269] : memref<32x128x2x80xi32, #tpu.memory_space<hbm>> -> memref<1x1x2x80xi32, #tpu.memory_space<hbm>>
      %dma_start3A_271 = tpu.memref_squeeze %dma_start3A_270 : memref<1x1x2x80xi32, #tpu.memory_space<hbm>> -> memref<2x80xi32, #tpu.memory_space<hbm>>
      tpu.enqueue_dma source(%dma_start3A_271 : memref<2x80xi32, #tpu.memory_space<hbm>>) target(%arg8 : memref<2x80xi32, #tpu.memory_space<vmem>>) target_semaphore(%arg15 : memref<!tpu.dma_semaphore, #tpu.memory_space<semaphore_mem>>)
      %dma_wait3A_272 = arith.constant 0 : i32
      %dma_wait3A_273 = arith.constant 0 : i32
      %dma_wait3A_274 = tpu.memref_slice %arg2[%add3A, %select_n3A_255, %dma_wait3A_272, %dma_wait3A_273] : memref<32x128x2x80xi32, #tpu.memory_space<hbm>> -> memref<1x1x2x80xi32, #tpu.memory_space<hbm>>
      %dma_wait3A_275 = tpu.memref_squeeze %dma_wait3A_274 : memref<1x1x2x80xi32, #tpu.memory_space<hbm>> -> memref<2x80xi32, #tpu.memory_space<hbm>>
      %dma_wait3A_276 = arith.constant 0 : i32
      %dma_wait3A_277 = arith.constant 0 : i32
      %dma_wait3A_278 = tpu.memref_slice %arg2[%add3A, %select_n3A_255, %dma_wait3A_276, %dma_wait3A_277] : memref<32x128x2x80xi32, #tpu.memory_space<hbm>> -> memref<1x1x2x80xi32, #tpu.memory_space<hbm>>
      %dma_wait3A_279 = tpu.memref_squeeze %dma_wait3A_278 : memref<1x1x2x80xi32, #tpu.memory_space<hbm>> -> memref<2x80xi32, #tpu.memory_space<hbm>>
      tpu.wait_dma2 semaphore(%arg13 : memref<!tpu.dma_semaphore, #tpu.memory_space<semaphore_mem>>) src(%dma_wait3A_279 : memref<2x80xi32, #tpu.memory_space<hbm>>) dst(%arg6 : memref<2x80xi32, #tpu.memory_space<vmem>>)
      %dma_start3A_280 = arith.constant 0 : i32
      %dma_start3A_281 = arith.constant 0 : i32
      %dma_start3A_282 = tpu.memref_slice %arg6[%dma_start3A_280, %dma_start3A_281] : memref<2x80xi32, #tpu.memory_space<vmem>> -> memref<1x80xi32, #tpu.memory_space<vmem>>
      %dma_start3A_283 = tpu.memref_squeeze %dma_start3A_282 : memref<1x80xi32, #tpu.memory_space<vmem>> -> memref<80xi32, #tpu.memory_space<vmem>>
      %dma_start3A_284 = arith.constant 0 : i32
      %dma_start3A_285 = arith.constant 0 : i32
      %dma_start3A_286 = tpu.memref_slice %arg4[%dma_start3A_284, %dma_start3A_285] : memref<10008x128xf32, #tpu.memory_space<hbm>> -> memref<10008x128xf32, #tpu.memory_space<hbm>>
      tpu.enqueue_indirect_dma source(%dma_start3A_286 : memref<10008x128xf32, #tpu.memory_space<hbm>>) target(%arg10 : memref<80x128xf32, #tpu.memory_space<vmem>>) offsets(%dma_start3A_283 : memref<80xi32, #tpu.memory_space<vmem>>) semaphore(%arg17 : memref<!tpu.dma_semaphore, #tpu.memory_space<semaphore_mem>>)
      %add3A_287 = arith.constant 3 : i32
      %add3A_288 = arith.addi %mul3A_125, %add3A_287 : i32
      %add3A_289 = arith.constant 4 : i32
      %add3A_290 = arith.addi %add3A_288, %add3A_289 : i32
      %ge3A_291 = arith.constant 128 : i32
      %ge3A_292 = arith.cmpi sge, %add3A_290, %ge3A_291 : i32
      %add3A_293 = arith.constant 4 : i32
      %add3A_294 = arith.addi %add3A_288, %add3A_293 : i32
      %sub3A_295 = arith.constant 128 : i32
      %sub3A_296 = arith.subi %add3A_294, %sub3A_295 : i32
      %add3A_297 = arith.constant 4 : i32
      %add3A_298 = arith.addi %add3A_288, %add3A_297 : i32
      %select_n3A_299 = arith.select %ge3A_292, %sub3A_296, %add3A_298 : i32
      %add3A_300 = arith.constant 2 : i32
      %add3A_301 = arith.addi %add3A_288, %add3A_300 : i32
      %ge3A_302 = arith.constant 128 : i32
      %ge3A_303 = arith.cmpi sge, %add3A_301, %ge3A_302 : i32
      %add3A_304 = arith.constant 2 : i32
      %add3A_305 = arith.addi %add3A_288, %add3A_304 : i32
      %sub3A_306 = arith.constant 128 : i32
      %sub3A_307 = arith.subi %add3A_305, %sub3A_306 : i32
      %add3A_308 = arith.constant 2 : i32
      %add3A_309 = arith.addi %add3A_288, %add3A_308 : i32
      %select_n3A_310 = arith.select %ge3A_303, %sub3A_307, %add3A_309 : i32
      %dma_wait3A_311 = arith.constant 0 : i32
      %dma_wait3A_312 = arith.constant 0 : i32
      %dma_wait3A_313 = tpu.memref_slice %arg9[%dma_wait3A_311, %dma_wait3A_312] : memref<2x80xi32, #tpu.memory_space<vmem>> -> memref<1x80xi32, #tpu.memory_space<vmem>>
      %dma_wait3A_314 = tpu.memref_squeeze %dma_wait3A_313 : memref<1x80xi32, #tpu.memory_space<vmem>> -> memref<80xi32, #tpu.memory_space<vmem>>
      %dma_wait3A_315 = arith.constant 0 : i32
      %dma_wait3A_316 = arith.constant 0 : i32
      %dma_wait3A_317 = tpu.memref_slice %arg4[%dma_wait3A_315, %dma_wait3A_316] : memref<10008x128xf32, #tpu.memory_space<hbm>> -> memref<10008x128xf32, #tpu.memory_space<hbm>>
      tpu.wait_indirect_dma semaphore(%arg18 : memref<!tpu.dma_semaphore, #tpu.memory_space<semaphore_mem>>) src(%dma_wait3A_317 : memref<10008x128xf32, #tpu.memory_space<hbm>>) dst(%arg11 : memref<80x128xf32, #tpu.memory_space<vmem>>)
      %run_scoped3A_318 = arith.constant 1 : i32
      "tpu.region"() ({
        %run_scoped3A_342 = tpu.sem_alloc : memref<!tpu.dma_semaphore, #tpu.memory_space<semaphore_mem>>
        %dma_start3A_343 = arith.constant 0 : i32
        %dma_start3A_344 = tpu.memref_slice %arg9[%run_scoped3A_318, %dma_start3A_343] : memref<2x80xi32, #tpu.memory_space<vmem>> -> memref<1x80xi32, #tpu.memory_space<vmem>>
        %dma_start3A_345 = tpu.memref_squeeze %dma_start3A_344 : memref<1x80xi32, #tpu.memory_space<vmem>> -> memref<80xi32, #tpu.memory_space<vmem>>
        %dma_start3A_346 = arith.constant 0 : i32
        %dma_start3A_347 = arith.constant 0 : i32
        %dma_start3A_348 = tpu.memref_slice %arg12[%dma_start3A_346, %dma_start3A_347] : memref<10000x128xf32, #tpu.memory_space<vmem_shared>> -> memref<10000x128xf32, #tpu.memory_space<vmem_shared>>
        tpu.enqueue_indirect_dma source(%arg11 : memref<80x128xf32, #tpu.memory_space<vmem>>) target(%dma_start3A_348 : memref<10000x128xf32, #tpu.memory_space<vmem_shared>>) offsets(%dma_start3A_345 : memref<80xi32, #tpu.memory_space<vmem>>) semaphore(%run_scoped3A_342 : memref<!tpu.dma_semaphore, #tpu.memory_space<semaphore_mem>>) {add = true}
        %dma_wait3A_349 = arith.constant 0 : i32
        %dma_wait3A_350 = tpu.memref_slice %arg9[%run_scoped3A_318, %dma_wait3A_349] : memref<2x80xi32, #tpu.memory_space<vmem>> -> memref<1x80xi32, #tpu.memory_space<vmem>>
        %dma_wait3A_351 = tpu.memref_squeeze %dma_wait3A_350 : memref<1x80xi32, #tpu.memory_space<vmem>> -> memref<80xi32, #tpu.memory_space<vmem>>
        %dma_wait3A_352 = arith.constant 0 : i32
        %dma_wait3A_353 = arith.constant 0 : i32
        %dma_wait3A_354 = tpu.memref_slice %arg12[%dma_wait3A_352, %dma_wait3A_353] : memref<10000x128xf32, #tpu.memory_space<vmem_shared>> -> memref<10000x128xf32, #tpu.memory_space<vmem_shared>>
        tpu.wait_indirect_dma semaphore(%run_scoped3A_342 : memref<!tpu.dma_semaphore, #tpu.memory_space<semaphore_mem>>) src(%arg11 : memref<80x128xf32, #tpu.memory_space<vmem>>) dst(%dma_wait3A_354 : memref<10000x128xf32, #tpu.memory_space<vmem_shared>>)
        tpu.yield
      }) : () -> ()
      %dma_start3A_319 = arith.constant 0 : i32
      %dma_start3A_320 = arith.constant 0 : i32
      %dma_start3A_321 = tpu.memref_slice %arg2[%add3A, %select_n3A_299, %dma_start3A_319, %dma_start3A_320] : memref<32x128x2x80xi32, #tpu.memory_space<hbm>> -> memref<1x1x2x80xi32, #tpu.memory_space<hbm>>
      %dma_start3A_322 = tpu.memref_squeeze %dma_start3A_321 : memref<1x1x2x80xi32, #tpu.memory_space<hbm>> -> memref<2x80xi32, #tpu.memory_space<hbm>>
      %dma_start3A_323 = arith.constant 0 : i32
      %dma_start3A_324 = arith.constant 0 : i32
      %dma_start3A_325 = tpu.memref_slice %arg2[%add3A, %select_n3A_299, %dma_start3A_323, %dma_start3A_324] : memref<32x128x2x80xi32, #tpu.memory_space<hbm>> -> memref<1x1x2x80xi32, #tpu.memory_space<hbm>>
      %dma_start3A_326 = tpu.memref_squeeze %dma_start3A_325 : memref<1x1x2x80xi32, #tpu.memory_space<hbm>> -> memref<2x80xi32, #tpu.memory_space<hbm>>
      tpu.enqueue_dma source(%dma_start3A_326 : memref<2x80xi32, #tpu.memory_space<hbm>>) target(%arg9 : memref<2x80xi32, #tpu.memory_space<vmem>>) target_semaphore(%arg16 : memref<!tpu.dma_semaphore, #tpu.memory_space<semaphore_mem>>)
      %dma_wait3A_327 = arith.constant 0 : i32
      %dma_wait3A_328 = arith.constant 0 : i32
      %dma_wait3A_329 = tpu.memref_slice %arg2[%add3A, %select_n3A_310, %dma_wait3A_327, %dma_wait3A_328] : memref<32x128x2x80xi32, #tpu.memory_space<hbm>> -> memref<1x1x2x80xi32, #tpu.memory_space<hbm>>
      %dma_wait3A_330 = tpu.memref_squeeze %dma_wait3A_329 : memref<1x1x2x80xi32, #tpu.memory_space<hbm>> -> memref<2x80xi32, #tpu.memory_space<hbm>>
      %dma_wait3A_331 = arith.constant 0 : i32
      %dma_wait3A_332 = arith.constant 0 : i32
      %dma_wait3A_333 = tpu.memref_slice %arg2[%add3A, %select_n3A_310, %dma_wait3A_331, %dma_wait3A_332] : memref<32x128x2x80xi32, #tpu.memory_space<hbm>> -> memref<1x1x2x80xi32, #tpu.memory_space<hbm>>
      %dma_wait3A_334 = tpu.memref_squeeze %dma_wait3A_333 : memref<1x1x2x80xi32, #tpu.memory_space<hbm>> -> memref<2x80xi32, #tpu.memory_space<hbm>>
      tpu.wait_dma2 semaphore(%arg14 : memref<!tpu.dma_semaphore, #tpu.memory_space<semaphore_mem>>) src(%dma_wait3A_334 : memref<2x80xi32, #tpu.memory_space<hbm>>) dst(%arg7 : memref<2x80xi32, #tpu.memory_space<vmem>>)
      %dma_start3A_335 = arith.constant 0 : i32
      %dma_start3A_336 = arith.constant 0 : i32
      %dma_start3A_337 = tpu.memref_slice %arg7[%dma_start3A_335, %dma_start3A_336] : memref<2x80xi32, #tpu.memory_space<vmem>> -> memref<1x80xi32, #tpu.memory_space<vmem>>
      %dma_start3A_338 = tpu.memref_squeeze %dma_start3A_337 : memref<1x80xi32, #tpu.memory_space<vmem>> -> memref<80xi32, #tpu.memory_space<vmem>>
      %dma_start3A_339 = arith.constant 0 : i32
      %dma_start3A_340 = arith.constant 0 : i32
      %dma_start3A_341 = tpu.memref_slice %arg4[%dma_start3A_339, %dma_start3A_340] : memref<10008x128xf32, #tpu.memory_space<hbm>> -> memref<10008x128xf32, #tpu.memory_space<hbm>>
      tpu.enqueue_indirect_dma source(%dma_start3A_341 : memref<10008x128xf32, #tpu.memory_space<hbm>>) target(%arg11 : memref<80x128xf32, #tpu.memory_space<vmem>>) offsets(%dma_start3A_338 : memref<80xi32, #tpu.memory_space<vmem>>) semaphore(%arg18 : memref<!tpu.dma_semaphore, #tpu.memory_space<semaphore_mem>>)
    }
    %scan3A_76 = arith.constant 32 : i32
    %dma_wait3A_77 = arith.constant 0 : i32
    %dma_wait3A_78 = arith.constant 0 : i32
    %dma_wait3A_79 = tpu.memref_slice %arg6[%dma_wait3A_77, %dma_wait3A_78] : memref<2x80xi32, #tpu.memory_space<vmem>> -> memref<1x80xi32, #tpu.memory_space<vmem>>
    %dma_wait3A_80 = tpu.memref_squeeze %dma_wait3A_79 : memref<1x80xi32, #tpu.memory_space<vmem>> -> memref<80xi32, #tpu.memory_space<vmem>>
    %dma_wait3A_81 = arith.constant 0 : i32
    %dma_wait3A_82 = arith.constant 0 : i32
    %dma_wait3A_83 = tpu.memref_slice %arg4[%dma_wait3A_81, %dma_wait3A_82] : memref<10008x128xf32, #tpu.memory_space<hbm>> -> memref<10008x128xf32, #tpu.memory_space<hbm>>
    tpu.wait_indirect_dma semaphore(%arg17 : memref<!tpu.dma_semaphore, #tpu.memory_space<semaphore_mem>>) src(%dma_wait3A_83 : memref<10008x128xf32, #tpu.memory_space<hbm>>) dst(%arg10 : memref<80x128xf32, #tpu.memory_space<vmem>>)
    %dma_wait3A_84 = arith.constant 0 : i32
    %dma_wait3A_85 = arith.constant 0 : i32
    %dma_wait3A_86 = tpu.memref_slice %arg7[%dma_wait3A_84, %dma_wait3A_85] : memref<2x80xi32, #tpu.memory_space<vmem>> -> memref<1x80xi32, #tpu.memory_space<vmem>>
    %dma_wait3A_87 = tpu.memref_squeeze %dma_wait3A_86 : memref<1x80xi32, #tpu.memory_space<vmem>> -> memref<80xi32, #tpu.memory_space<vmem>>
    %dma_wait3A_88 = arith.constant 0 : i32
    %dma_wait3A_89 = arith.constant 0 : i32
    %dma_wait3A_90 = tpu.memref_slice %arg4[%dma_wait3A_88, %dma_wait3A_89] : memref<10008x128xf32, #tpu.memory_space<hbm>> -> memref<10008x128xf32, #tpu.memory_space<hbm>>
    tpu.wait_indirect_dma semaphore(%arg18 : memref<!tpu.dma_semaphore, #tpu.memory_space<semaphore_mem>>) src(%dma_wait3A_90 : memref<10008x128xf32, #tpu.memory_space<hbm>>) dst(%arg11 : memref<80x128xf32, #tpu.memory_space<vmem>>)
    %dma_wait3A_91 = arith.constant 2 : i32
    %dma_wait3A_92 = arith.constant 0 : i32
    %dma_wait3A_93 = arith.constant 0 : i32
    %dma_wait3A_94 = tpu.memref_slice %arg2[%add3A, %dma_wait3A_91, %dma_wait3A_92, %dma_wait3A_93] : memref<32x128x2x80xi32, #tpu.memory_space<hbm>> -> memref<1x1x2x80xi32, #tpu.memory_space<hbm>>
    %dma_wait3A_95 = tpu.memref_squeeze %dma_wait3A_94 : memref<1x1x2x80xi32, #tpu.memory_space<hbm>> -> memref<2x80xi32, #tpu.memory_space<hbm>>
    %dma_wait3A_96 = arith.constant 0 : i32
    %dma_wait3A_97 = arith.constant 0 : i32
    %dma_wait3A_98 = tpu.memref_slice %arg2[%add3A, %dma_wait3A_91, %dma_wait3A_96, %dma_wait3A_97] : memref<32x128x2x80xi32, #tpu.memory_space<hbm>> -> memref<1x1x2x80xi32, #tpu.memory_space<hbm>>
    %dma_wait3A_99 = tpu.memref_squeeze %dma_wait3A_98 : memref<1x1x2x80xi32, #tpu.memory_space<hbm>> -> memref<2x80xi32, #tpu.memory_space<hbm>>
    tpu.wait_dma2 semaphore(%arg15 : memref<!tpu.dma_semaphore, #tpu.memory_space<semaphore_mem>>) src(%dma_wait3A_99 : memref<2x80xi32, #tpu.memory_space<hbm>>) dst(%arg8 : memref<2x80xi32, #tpu.memory_space<vmem>>)
    %dma_wait3A_100 = arith.constant 3 : i32
    %dma_wait3A_101 = arith.constant 0 : i32
    %dma_wait3A_102 = arith.constant 0 : i32
    %dma_wait3A_103 = tpu.memref_slice %arg2[%add3A, %dma_wait3A_100, %dma_wait3A_101, %dma_wait3A_102] : memref<32x128x2x80xi32, #tpu.memory_space<hbm>> -> memref<1x1x2x80xi32, #tpu.memory_space<hbm>>
    %dma_wait3A_104 = tpu.memref_squeeze %dma_wait3A_103 : memref<1x1x2x80xi32, #tpu.memory_space<hbm>> -> memref<2x80xi32, #tpu.memory_space<hbm>>
    %dma_wait3A_105 = arith.constant 0 : i32
    %dma_wait3A_106 = arith.constant 0 : i32
    %dma_wait3A_107 = tpu.memref_slice %arg2[%add3A, %dma_wait3A_100, %dma_wait3A_105, %dma_wait3A_106] : memref<32x128x2x80xi32, #tpu.memory_space<hbm>> -> memref<1x1x2x80xi32, #tpu.memory_space<hbm>>
    %dma_wait3A_108 = tpu.memref_squeeze %dma_wait3A_107 : memref<1x1x2x80xi32, #tpu.memory_space<hbm>> -> memref<2x80xi32, #tpu.memory_space<hbm>>
    tpu.wait_dma2 semaphore(%arg16 : memref<!tpu.dma_semaphore, #tpu.memory_space<semaphore_mem>>) src(%dma_wait3A_108 : memref<2x80xi32, #tpu.memory_space<hbm>>) dst(%arg9 : memref<2x80xi32, #tpu.memory_space<vmem>>)
    %barrier3A_109 = arith.constant 0 : index
    tpu.barrier barrier_id(%barrier3A_109)
    %mul3A_110 = arith.constant 624 : i32
    %mul3A_111 = arith.muli %arg1, %mul3A_110 : i32
    %mul3A_112 = arith.constant 624 : i32
    %mul3A_113 = arith.muli %arg1, %mul3A_112 : i32
    "tpu.region"() ({
      %run_scoped3A = tpu.sem_alloc : memref<!tpu.dma_semaphore, #tpu.memory_space<semaphore_mem>>
      %dma_start3A_119 = arith.constant 0 : i32
      %dma_start3A_120 = arith.constant 0 : i32
      %dma_start3A_121 = tpu.memref_slice %arg5[%arg0, %dma_start3A_119, %dma_start3A_120] : memref<2x10000x128xf32, #tpu.memory_space<hbm>> -> memref<1x10000x128xf32, #tpu.memory_space<hbm>>
      %dma_start3A_122 = tpu.memref_squeeze %dma_start3A_121 : memref<1x10000x128xf32, #tpu.memory_space<hbm>> -> memref<10000x128xf32, #tpu.memory_space<hbm>>
      %dma_start3A_123 = arith.constant 0 : i32
      %dma_start3A_124 = tpu.memref_slice %dma_start3A_122[%mul3A_113, %dma_start3A_123] : memref<10000x128xf32, #tpu.memory_space<hbm>> -> memref<624x128xf32, #tpu.memory_space<hbm>>
      %dma_start3A_125 = arith.constant 0 : i32
      %dma_start3A_126 = tpu.memref_slice %arg12[%mul3A_111, %dma_start3A_125] : memref<10000x128xf32, #tpu.memory_space<vmem_shared>> -> memref<624x128xf32, #tpu.memory_space<vmem_shared>>
      tpu.enqueue_dma source(%dma_start3A_126 : memref<624x128xf32, #tpu.memory_space<vmem_shared>>) target(%dma_start3A_124 : memref<624x128xf32, #tpu.memory_space<hbm>>) target_semaphore(%run_scoped3A : memref<!tpu.dma_semaphore, #tpu.memory_space<semaphore_mem>>)
      %dma_wait3A_127 = arith.constant 0 : i32
      %dma_wait3A_128 = arith.constant 0 : i32
      %dma_wait3A_129 = tpu.memref_slice %arg5[%arg0, %dma_wait3A_127, %dma_wait3A_128] : memref<2x10000x128xf32, #tpu.memory_space<hbm>> -> memref<1x10000x128xf32, #tpu.memory_space<hbm>>
      %dma_wait3A_130 = tpu.memref_squeeze %dma_wait3A_129 : memref<1x10000x128xf32, #tpu.memory_space<hbm>> -> memref<10000x128xf32, #tpu.memory_space<hbm>>
      %dma_wait3A_131 = arith.constant 0 : i32
      %dma_wait3A_132 = tpu.memref_slice %dma_wait3A_130[%mul3A_113, %dma_wait3A_131] : memref<10000x128xf32, #tpu.memory_space<hbm>> -> memref<624x128xf32, #tpu.memory_space<hbm>>
      %dma_wait3A_133 = arith.constant 0 : i32
      %dma_wait3A_134 = tpu.memref_slice %arg12[%mul3A_111, %dma_wait3A_133] : memref<10000x128xf32, #tpu.memory_space<vmem_shared>> -> memref<624x128xf32, #tpu.memory_space<vmem_shared>>
      tpu.wait_dma2 semaphore(%run_scoped3A : memref<!tpu.dma_semaphore, #tpu.memory_space<semaphore_mem>>) src(%dma_wait3A_134 : memref<624x128xf32, #tpu.memory_space<vmem_shared>>) dst(%dma_wait3A_132 : memref<624x128xf32, #tpu.memory_space<hbm>>)
      tpu.yield
    }) : () -> ()
    %eq3A_114 = arith.constant 15 : i32
    %eq3A_115 = arith.cmpi eq, %arg1, %eq3A_114 : i32
    %convert_element_type3A_116 = arith.extui %eq3A_115 : i1 to i32
    %cond3A_117 = arith.constant 0 : i32
    %cond3A_118 = arith.cmpi ne, %convert_element_type3A_116, %cond3A_117 : i32
    scf.if %cond3A_118 {
      "tpu.region"() ({
        %run_scoped3A = tpu.sem_alloc : memref<!tpu.dma_semaphore, #tpu.memory_space<semaphore_mem>>
        %dma_start3A_119 = arith.constant 0 : i32
        %dma_start3A_120 = arith.constant 0 : i32
        %dma_start3A_121 = tpu.memref_slice %arg5[%arg0, %dma_start3A_119, %dma_start3A_120] : memref<2x10000x128xf32, #tpu.memory_space<hbm>> -> memref<1x10000x128xf32, #tpu.memory_space<hbm>>
        %dma_start3A_122 = tpu.memref_squeeze %dma_start3A_121 : memref<1x10000x128xf32, #tpu.memory_space<hbm>> -> memref<10000x128xf32, #tpu.memory_space<hbm>>
        %dma_start3A_123 = arith.constant 9984 : i32
        %dma_start3A_124 = arith.constant 0 : i32
        %dma_start3A_125 = tpu.memref_slice %dma_start3A_122[%dma_start3A_123, %dma_start3A_124] : memref<10000x128xf32, #tpu.memory_space<hbm>> -> memref<16x128xf32, #tpu.memory_space<hbm>>
        %dma_start3A_126 = arith.constant 9984 : i32
        %dma_start3A_127 = arith.constant 0 : i32
        %dma_start3A_128 = tpu.memref_slice %arg12[%dma_start3A_126, %dma_start3A_127] : memref<10000x128xf32, #tpu.memory_space<vmem_shared>> -> memref<16x128xf32, #tpu.memory_space<vmem_shared>>
        tpu.enqueue_dma source(%dma_start3A_128 : memref<16x128xf32, #tpu.memory_space<vmem_shared>>) target(%dma_start3A_125 : memref<16x128xf32, #tpu.memory_space<hbm>>) target_semaphore(%run_scoped3A : memref<!tpu.dma_semaphore, #tpu.memory_space<semaphore_mem>>)
        %dma_wait3A_129 = arith.constant 0 : i32
        %dma_wait3A_130 = arith.constant 0 : i32
        %dma_wait3A_131 = tpu.memref_slice %arg5[%arg0, %dma_wait3A_129, %dma_wait3A_130] : memref<2x10000x128xf32, #tpu.memory_space<hbm>> -> memref<1x10000x128xf32, #tpu.memory_space<hbm>>
        %dma_wait3A_132 = tpu.memref_squeeze %dma_wait3A_131 : memref<1x10000x128xf32, #tpu.memory_space<hbm>> -> memref<10000x128xf32, #tpu.memory_space<hbm>>
        %dma_wait3A_133 = arith.constant 9984 : i32
        %dma_wait3A_134 = arith.constant 0 : i32
        %dma_wait3A_135 = tpu.memref_slice %dma_wait3A_132[%dma_wait3A_133, %dma_wait3A_134] : memref<10000x128xf32, #tpu.memory_space<hbm>> -> memref<16x128xf32, #tpu.memory_space<hbm>>
        %dma_wait3A_136 = arith.constant 9984 : i32
        %dma_wait3A_137 = arith.constant 0 : i32
        %dma_wait3A_138 = tpu.memref_slice %arg12[%dma_wait3A_136, %dma_wait3A_137] : memref<10000x128xf32, #tpu.memory_space<vmem_shared>> -> memref<16x128xf32, #tpu.memory_space<vmem_shared>>
        tpu.wait_dma2 semaphore(%run_scoped3A : memref<!tpu.dma_semaphore, #tpu.memory_space<semaphore_mem>>) src(%dma_wait3A_138 : memref<16x128xf32, #tpu.memory_space<vmem_shared>>) dst(%dma_wait3A_135 : memref<16x128xf32, #tpu.memory_space<hbm>>)
        tpu.yield
      }) : () -> ()
    } else {
    }
    return
  }
}

module attributes {stable_mosaic.version = 14 : i64} {
  func.func @_mmps_body(%arg0: i32, %arg1: memref<1000x32xf32, #tpu.memory_space<vmem>>, %arg2: memref<1000x128xf32, #tpu.memory_space<vmem>>, %arg3: memref<128x128xf32, #tpu.memory_space<vmem>>, %arg4: memref<1000x128xf32, #tpu.memory_space<vmem>>) attributes {dimension_semantics = [#tpu.dimension_semantics<arbitrary>], iteration_bounds = array<i64: 10>, scalar_prefetch = 0 : i64, scratch_operands = 0 : i64, tpu.core_type = #tpu.core_type<tc>, window_params = [{transform_indices = @transform_0, window_bounds = array<i64: 1000, 32>}, {transform_indices = @transform_1, window_bounds = array<i64: 1000, 128>}, {pipeline_mode = #tpu.pipeline_mode<synchronous>, transform_indices = @transform_2, window_bounds = array<i64: 128, 128>}, {transform_indices = @transform_3, window_bounds = array<i64: 1000, 128>}]} {
    %get3A = arith.constant 0 : index
    %get3A_0 = arith.constant 0 : index
    %get3A_1 = vector.load %arg2[%get3A, %get3A_0] : memref<1000x128xf32, #tpu.memory_space<vmem>>, vector<1000x128xf32>
    %get3A_2 = arith.constant 0 : index
    %get3A_3 = arith.constant 0 : index
    %get3A_4 = vector.load %arg3[%get3A_2, %get3A_3] : memref<128x128xf32, #tpu.memory_space<vmem>>, vector<128x128xf32>
    %dot_general3A = arith.constant dense<0.000000e+00> : vector<1000x128xf32>
    %dot_general3A_5 = tpu.matmul %get3A_1, %get3A_4, %dot_general3A {dimension_numbers = #tpu.dot_dimension_numbers<[1], [0], [0], [1], [0, 0, 1, 1], [], []>, transpose_lhs_hint = false} : vector<1000x128xf32>, vector<128x128xf32>, vector<1000x128xf32> -> vector<1000x128xf32>
    %get3A_6 = arith.constant 0 : index
    %get3A_7 = arith.constant 0 : index
    %get3A_8 = vector.load %arg1[%get3A_6, %get3A_7] : memref<1000x32xf32, #tpu.memory_space<vmem>>, vector<1000x32xf32>
    %reduce_sum3A = arith.constant dense<0.000000e+00> : vector<1000xf32>
    %reduce_sum3A_9 = vector.multi_reduction <add>, %get3A_8, %reduce_sum3A [1] : vector<1000x32xf32> to vector<1000xf32>
    %broadcast_in_dim3A = vector.shape_cast %reduce_sum3A_9 : vector<1000xf32> to vector<1000x1xf32>
    %add3A = arith.constant 1.000000e+00 : f32
    %add3A_10 = vector.broadcast %add3A : f32 to vector<1000x1xf32>
    %add3A_11 = arith.addf %broadcast_in_dim3A, %add3A_10 : vector<1000x1xf32>
    %rsqrt3A = math.rsqrt %add3A_11 : vector<1000x1xf32>
    %mul3A = vector.broadcast %rsqrt3A : vector<1000x1xf32> to vector<1000x128xf32>
    %mul3A_12 = arith.mulf %mul3A, %dot_general3A_5 : vector<1000x128xf32>
    %swap3A = arith.constant 0 : index
    %swap3A_13 = arith.constant 0 : index
    %swap3A_14 = vector.load %arg4[%swap3A, %swap3A_13] : memref<1000x128xf32, #tpu.memory_space<vmem>>, vector<1000x128xf32>
    tpu.vector_store %arg4[%swap3A, %swap3A_13], %mul3A_12 {strides = array<i32>} : memref<1000x128xf32, #tpu.memory_space<vmem>>, vector<1000x128xf32>,
    return
  }
  func.func @transform_0(%arg0: i32) -> (i32, i32) {
    %c0_i32 = arith.constant 0 : i32
    %c0_i32_0 = arith.constant 0 : i32
    return %arg0, %c0_i32 : i32, i32
  }
  func.func @transform_1(%arg0: i32) -> (i32, i32) {
    %c0_i32 = arith.constant 0 : i32
    %c0_i32_0 = arith.constant 0 : i32
    return %arg0, %c0_i32 : i32, i32
  }
  func.func @transform_2(%arg0: i32) -> (i32, i32) {
    %c0_i32 = arith.constant 0 : i32
    %c0_i32_0 = arith.constant 0 : i32
    %c0_i32_1 = arith.constant 0 : i32
    return %c0_i32, %c0_i32_0 : i32, i32
  }
  func.func @transform_3(%arg0: i32) -> (i32, i32) {
    %c0_i32 = arith.constant 0 : i32
    %c0_i32_0 = arith.constant 0 : i32
    return %arg0, %c0_i32 : i32, i32
  }
}

module attributes {stable_mosaic.version = 14 : i64} {
  func.func @_final_body(%arg0: i32, %arg1: memref<1000x32xf32, #tpu.memory_space<vmem>>, %arg2: memref<2x1000x128xf32, #tpu.memory_space<vmem>>, %arg3: memref<1000x128xf32, #tpu.memory_space<vmem>>, %arg4: memref<1x128xf32, #tpu.memory_space<vmem>>, %arg5: memref<1000x128xf32, #tpu.memory_space<vmem>>) attributes {dimension_semantics = [#tpu.dimension_semantics<arbitrary>], iteration_bounds = array<i64: 10>, scalar_prefetch = 0 : i64, scratch_operands = 0 : i64, tpu.core_type = #tpu.core_type<tc>, window_params = [{transform_indices = @transform_0, window_bounds = array<i64: 1000, 32>}, {transform_indices = @transform_1, window_bounds = array<i64: 2, 1000, 128>}, {transform_indices = @transform_2, window_bounds = array<i64: 1000, 128>}, {pipeline_mode = #tpu.pipeline_mode<synchronous>, transform_indices = @transform_3, window_bounds = array<i64: 1, 128>}, {transform_indices = @transform_4, window_bounds = array<i64: 1000, 128>}]} {
    %get3A = arith.constant 0 : index
    %get3A_0 = arith.constant 0 : index
    %get3A_1 = vector.load %arg1[%get3A, %get3A_0] : memref<1000x32xf32, #tpu.memory_space<vmem>>, vector<1000x32xf32>
    %reduce_sum3A = arith.constant dense<0.000000e+00> : vector<1000xf32>
    %reduce_sum3A_2 = vector.multi_reduction <add>, %get3A_1, %reduce_sum3A [1] : vector<1000x32xf32> to vector<1000xf32>
    %broadcast_in_dim3A = vector.shape_cast %reduce_sum3A_2 : vector<1000xf32> to vector<1000x1xf32>
    %add3A = arith.constant 1.000000e+00 : f32
    %add3A_3 = vector.broadcast %add3A : f32 to vector<1000x1xf32>
    %add3A_4 = arith.addf %broadcast_in_dim3A, %add3A_3 : vector<1000x1xf32>
    %rsqrt3A = math.rsqrt %add3A_4 : vector<1000x1xf32>
    %get3A_5 = arith.constant 0 : index
    %get3A_6 = arith.constant 0 : index
    %get3A_7 = arith.constant 0 : index
    %get3A_8 = vector.load %arg2[%get3A_5, %get3A_6, %get3A_7] : memref<2x1000x128xf32, #tpu.memory_space<vmem>>, vector<1x1000x128xf32>
    %get3A_9 = vector.shape_cast %get3A_8 : vector<1x1000x128xf32> to vector<1000x128xf32>
    %get3A_10 = arith.constant 1 : index
    %get3A_11 = arith.constant 0 : index
    %get3A_12 = arith.constant 0 : index
    %get3A_13 = vector.load %arg2[%get3A_10, %get3A_11, %get3A_12] : memref<2x1000x128xf32, #tpu.memory_space<vmem>>, vector<1x1000x128xf32>
    %get3A_14 = vector.shape_cast %get3A_13 : vector<1x1000x128xf32> to vector<1000x128xf32>
    %add3A_15 = arith.addf %get3A_9, %get3A_14 : vector<1000x128xf32>
    %get3A_16 = arith.constant 0 : index
    %get3A_17 = arith.constant 0 : index
    %get3A_18 = vector.load %arg3[%get3A_16, %get3A_17] : memref<1000x128xf32, #tpu.memory_space<vmem>>, vector<1000x128xf32>
    %add3A_19 = arith.addf %add3A_15, %get3A_18 : vector<1000x128xf32>
    %mul3A = vector.broadcast %rsqrt3A : vector<1000x1xf32> to vector<1000x128xf32>
    %mul3A_20 = arith.mulf %mul3A, %add3A_19 : vector<1000x128xf32>
    %get3A_21 = arith.constant 0 : index
    %get3A_22 = arith.constant 0 : index
    %get3A_23 = vector.load %arg4[%get3A_21, %get3A_22] : memref<1x128xf32, #tpu.memory_space<vmem>>, vector<1x128xf32>
    %add3A_24 = vector.broadcast %get3A_23 : vector<1x128xf32> to vector<1000x128xf32>
    %add3A_25 = arith.addf %mul3A_20, %add3A_24 : vector<1000x128xf32>
    %max3A = arith.constant 0.000000e+00 : f32
    %max3A_26 = vector.broadcast %max3A : f32 to vector<1000x128xf32>
    %max3A_27 = arith.maximumf %add3A_25, %max3A_26 : vector<1000x128xf32>
    %swap3A = arith.constant 0 : index
    %swap3A_28 = arith.constant 0 : index
    %swap3A_29 = vector.load %arg5[%swap3A, %swap3A_28] : memref<1000x128xf32, #tpu.memory_space<vmem>>, vector<1000x128xf32>
    tpu.vector_store %arg5[%swap3A, %swap3A_28], %max3A_27 {strides = array<i32>} : memref<1000x128xf32, #tpu.memory_space<vmem>>, vector<1000x128xf32>,
    return
  }
  func.func @transform_0(%arg0: i32) -> (i32, i32) {
    %c0_i32 = arith.constant 0 : i32
    %c0_i32_0 = arith.constant 0 : i32
    return %arg0, %c0_i32 : i32, i32
  }
  func.func @transform_1(%arg0: i32) -> (i32, i32, i32) {
    %c0_i32 = arith.constant 0 : i32
    %c0_i32_0 = arith.constant 0 : i32
    %c0_i32_1 = arith.constant 0 : i32
    return %c0_i32, %arg0, %c0_i32_0 : i32, i32, i32
  }
  func.func @transform_2(%arg0: i32) -> (i32, i32) {
    %c0_i32 = arith.constant 0 : i32
    %c0_i32_0 = arith.constant 0 : i32
    return %arg0, %c0_i32 : i32, i32
  }
  func.func @transform_3(%arg0: i32) -> (i32, i32) {
    %c0_i32 = arith.constant 0 : i32
    %c0_i32_0 = arith.constant 0 : i32
    %c0_i32_1 = arith.constant 0 : i32
    return %c0_i32, %c0_i32_0 : i32, i32
  }
  func.func @transform_4(%arg0: i32) -> (i32, i32) {
    %c0_i32 = arith.constant 0 : i32
    %c0_i32_0 = arith.constant 0 : i32
    return %arg0, %c0_i32 : i32, i32
  }
}

</mosaic_0001>

<sc_bundles>
// kernel: kernel.6.cloned.1.call-start
scs
__scs_entry_jumppad:
0x0: {  	(pc) =	sbr.rel $0x88, $3  }
0x1: {  	(tag) =	ssettag $0x0;
	lr =	simm.s32 $0x1  }
0x2: {  	[smem:$0x3F9D] =	sst lr;
	_ =	strace $0xD0000000  }
0x3: {  	_ = 	snop  }
0x4: {  	_ = 	snop  }
0x5: {  	_ = 	snop  }
0x6: {  	_ = 	snop  }
0x7: {  	_ = 	snop  }
__scs_overlays_trampoline_lowered:
0x8: {  	[smem:$0x3FAC] =	sst s0  }
0x9: {  	[smem:$0x3FAD] =	sst s1  }
0xa: {  	[smem:$0x3FAE] =	sst s2  }
0xb: {  	[smem:$0x3FAF] =	sst s3  }
0xc: {  	[smem:$0x3FB0] =	sst s4  }
0xd: {  	[smem:$0x3FB1] =	sst s5  }
0xe: {  	[smem:$0x3FB2] =	sst s6  }
0xf: {  	[smem:$0x3FB3] =	sst s7  }
0x10: {  	[smem:$0x3FB4] =	sst s8  }
0x11: {  	[smem:$0x3FB5] =	sst s9;
	s0 =	simm.s32 @!p0 $0x0  }
0x12: {  	s1 =	sld [smem:$0x3F9B];
	s0 =	simm.s32 @p0 $0x1  }
0x13: {  	[smem:$0x3FB6] =	sst s0;
	s0 =	simm.s32 @!p1 $0x0  }
0x14: {  	s2 =	sld [smem:$0x3F9A];
	s0 =	simm.s32 @p1 $0x1  }
0x15: {  	[smem:$0x3FB7] =	sst s0;
	s0 =	simm.s32 @!p2 $0x0  }
0x16: {  	s3 =	sld [smem:$0x3FDB];
	s0 =	simm.s32 @p2 $0x1  }
0x17: {  	s4 =	simm.s32 $0x1BF5;
	[smem:$0x3FB9] =	sst s0  }
0x18: {  	s0 =	sld [smem:$0x3F9C];
	_ =	swait.ge [sflag:s4], $0x0  }
0x19: {  	s7 =	sld [smem:$0x3F9D]  }
0x1a: {  	s8 =	sadd.s32 $0xFFFFE003, lr  }
0x1b: {  	s9 =	sadd.s32 $0xFFFFFEF7, lr;
	s5 =	simm.s32 $0xFFFFFFFF;
	p2 =	slt.u32 s8, $0xFFFFF086  }
0x1c: {  	p1 =	slt.u32 s9, $0xF7A;
	s5 =	simm.s32 @!p2 $0x0  }
0x1d: {  	s5 =	simm.s32 @p1 $0x1;
	p0 =	seq.s32 s7, s2  }
0x1e: {  	s7 =	smul.u32 @!p0 $0xF7A, s2;
	p2 =	seq.s32 @!p0 s5, $0x0  }
0x1f: {  	s9 =	smul.u32 $0xF7A, s1;
	s8 =	simm.s32 @!p0 $0x1BF5;
	p2 =	por !p2, p0  }
0x20: {  	[sflag:s8] =	ssyncset.s32 @!p0 $0xFFFFF086;
	s6 =	sadd.s32 @!p0 s3, s7;
	s7 =	simm.s32 @!p0 $0x108  }
0x21: {  	s3 =	sadd.s32 s3, s9;
	s6 =	sadd.s32 @!p0 $0x88, s6;
	s7 =	simm.s32 @p2 $0x1082  }
0x22: {  	[simem:s7], [sflag:s8] =	dma.local @!p0 [hbm:s6], $0xF7A  }
0x23: {  	s9 =	sor.u32 $0xD0000000, s2;
	s6 =	simm.s32 $0x108;
	_ =	swait.ge @!p0 [sflag:s8], $0x0  }
0x24: {  	s3 =	sadd.s32 $0x88, s3;
	s6 =	simm.s32 @!p1 $0x1082;
	[sflag:s4] =	ssyncset.s32 $0xFFFFF086  }
0x25: {  	[simem:s6], [sflag:s4] =	dma.local [hbm:s3], $0xF7A  }
0x26: {  	[smem:$0x3F9D] =	sst s1;
	(tag) =	ssettag s2;
	_ =	strace s9  }
0x27: {  	s1 =	sld [smem:$0x3FAD]  }
0x28: {  	s2 =	sld [smem:$0x3FAE]  }
0x29: {  	s4 =	sld [smem:$0x3FB0]  }
0x2a: {  	p0 =	seq.s32 s5, $0x0;
	s5 =	sld [smem:$0x3FB1]  }
0x2b: {  	s6 =	sld [smem:$0x3FB2]  }
0x2c: {  	s7 =	sld [smem:$0x3FB3]  }
0x2d: {  	s3 =	simm.s32 $0x108;
	s8 =	sld [smem:$0x3FB4]  }
0x2e: {  	s3 =	simm.s32 @!p0 $0x1082;
	s9 =	sld [smem:$0x3FB5]  }
0x2f: {  	lr =	sadd.s32 s0, s3;
	s0 =	sld [smem:$0x3FAC]  }
0x30: {  	s3 =	sld [smem:$0x3FAF]  }
0x31: {  	[smem:$0x3FB8] =	sst s10  }
0x32: {  	s10 =	sld [smem:$0x3FB6];
	_ =	sdelay $0x3  }
0x33: {  	p0 =	seq.s32 s10, $0x1;
	s10 =	sld [smem:$0x3FB8];
	_ =	sdelay $0x3  }
0x34: {  	[smem:$0x3FB8] =	sst s10  }
0x35: {  	s10 =	sld [smem:$0x3FB7];
	_ =	sdelay $0x3  }
0x36: {  	p1 =	seq.s32 s10, $0x1;
	s10 =	sld [smem:$0x3FB8];
	_ =	sdelay $0x3  }
0x37: {  	[smem:$0x3FB8] =	sst s10  }
0x38: {  	s10 =	sld [smem:$0x3FB9]  }
0x39: {  	_ = 	snop;
	(pc) =	sbr.ind lr, $3  }
0x3a: {  	_ = 	snop  }
0x3b: {  	_ = 	snop  }
0x3c: {  	p2 =	seq.s32 s10, $0x1;
	s10 =	sld [smem:$0x3FB8]  }
0x3d: {  	_ =	shalt  }
0x3e: {  	_ =	shalt  }
0x3f: {  	_ =	shalt  }
0x40: {  	_ =	shalt  }
0x41: {  	_ =	shalt  }
0x42: {  	_ =	shalt  }
0x43: {  	_ =	shalt  }
0x44: {  	_ =	shalt  }
0x45: {  	_ =	shalt  }
0x46: {  	_ =	shalt  }
0x47: {  	_ =	shalt  }
0x48: {  	_ =	shalt  }
0x49: {  	_ =	shalt  }
0x4a: {  	_ =	shalt  }
0x4b: {  	_ =	shalt  }
0x4c: {  	_ =	shalt  }
0x4d: {  	_ =	shalt  }
0x4e: {  	_ =	shalt  }
0x4f: {  	_ =	shalt  }
0x50: {  	_ =	shalt  }
0x51: {  	_ =	shalt  }
0x52: {  	_ =	shalt  }
0x53: {  	_ =	shalt  }
0x54: {  	_ =	shalt  }
0x55: {  	_ =	shalt  }
0x56: {  	_ =	shalt  }
0x57: {  	_ =	shalt  }
0x58: {  	_ =	shalt  }
0x59: {  	_ =	shalt  }
0x5a: {  	_ =	shalt  }
0x5b: {  	_ =	shalt  }
0x5c: {  	_ =	shalt  }
0x5d: {  	_ =	shalt  }
0x5e: {  	_ =	shalt  }
0x5f: {  	_ =	shalt  }
0x60: {  	_ =	shalt  }
0x61: {  	_ =	shalt  }
0x62: {  	_ =	shalt  }
0x63: {  	_ =	shalt  }
0x64: {  	_ =	shalt  }
0x65: {  	_ =	shalt  }
0x66: {  	_ =	shalt  }
0x67: {  	_ =	shalt  }
0x68: {  	_ =	shalt  }
0x69: {  	_ =	shalt  }
0x6a: {  	_ =	shalt  }
0x6b: {  	_ =	shalt  }
0x6c: {  	_ =	shalt  }
0x6d: {  	_ =	shalt  }
0x6e: {  	_ =	shalt  }
0x6f: {  	_ =	shalt  }
0x70: {  	_ =	shalt  }
0x71: {  	_ =	shalt  }
0x72: {  	_ =	shalt  }
0x73: {  	_ =	shalt  }
0x74: {  	_ =	shalt  }
0x75: {  	_ =	shalt  }
0x76: {  	_ =	shalt  }
0x77: {  	_ =	shalt  }
0x78: {  	_ =	shalt  }
0x79: {  	_ =	shalt  }
0x7a: {  	_ =	shalt  }
0x7b: {  	_ =	shalt  }
0x7c: {  	_ =	shalt  }
0x7d: {  	_ =	shalt  }
0x7e: {  	_ =	shalt  }
0x7f: {  	_ =	shalt  }
0x80: {  	_ =	shalt  }
0x81: {  	_ =	shalt  }
0x82: {  	_ =	shalt  }
0x83: {  	_ =	shalt  }
0x84: {  	_ =	shalt  }
0x85: {  	_ =	shalt  }
0x86: {  	_ =	shalt  }
0x87: {  	_ =	shalt  }
.Lfunc_end0:
.L_simem_size_0:
called_computation_lowered:
.L_overlay_start_0:
0x88: {  	s2 =	sld [smem:$0x3FD9]  }
0x89: {  	s3 =	sld [smem:$0x3FFE];
	_ =	sdelay $0x1  }
0x8a: {  	s1 =	srdreg.scid  }
0x8b: {  	s0 =	sand.u32 $0x1, s1  }
0x8c: {  	s17 =	sshll.u32 s0, $0xA;
	s2 =	sadd.s32 s3, s2  }
0x8d: {  	s2 =	sadd.s32 s2, s17  }
0x8e: {  	[smem:$0x3FC4] =	sst s2  }
0x8f: {  	_ = 	snop  }
0x90: {  	s2 =	sld [smem:$0x3FD0];
	(tm) =	ssettm $0x1  }
0x91: {  	s18 =	sld [smem:$0x3FFB];
	_ =	sdelay $0x3  }
0x92: {  	_ =	strace s18  }
0x93: {  	s3 =	sld [smem:$0x3FFC];
	_ =	sdelay $0x3  }
0x94: {  	_ =	strace s3  }
0x95: {  	s3 =	sld [smem:$0x3FFD];
	_ =	sdelay $0x3  }
0x96: {  	_ =	strace s3  }
0x97: {  	_ =	strace $0x8FFFFFFF  }
0x98: {  	s19 =	sld [smem:$0x3FDB];
	_ =	sdelay $0x1  }
0x99: {  	s4 =	simm.s32 $_scs_section_size  }
0x9a: {  	s5 =	simm.s32 $_size__tile_overlayer_lowered;
	s6 =	simm.s32 $_tile_overlayer_lowered  }
0x9b: {  	s22 =	simm.s32 $0x1BFF;
	s21 =	sshll.u32 s6, $0x1;
	s3 =	sadd.s32 s4, s19  }
0x9c: {  	s7 =	simm.s32 $0x0;
	s20 =	sshll.u32 s5, $0x1;
	s5 =	sadd.s32 s21, s3  }
0x9d: {  	[timem:s7], [sflag:s22] =	dma.local [hbm:s5], s20  }
0x9e: {  	_ =	swait.ge [sflag:s22], s20  }
0x9f: {  	s4 =	ssub.s32 $0x0, s20;
	[sflag:s22] =	ssyncset.done $0x0  }
0xa0: {  	[sflag:s22] =	ssyncadd.s32 s4;
	_ =	sdelay $0x1  }
0xa1: {  	s23 =	simm.s32 $0x1B8B  }
0xa2: {  	_ =	swait.ge [sflag:s23], $0x1  }
0xa3: {  	[sflag:s23] =	ssyncset.done $0x0  }
0xa4: {  	s25 =	simm.s32 $0x1B8E;
	s24 =	sld [smem:$0x3FFE];
	[sflag:s23] =	ssyncadd.s32 $0xFFFFFFFF  }
0xa5: {  	s26 =	simm.s32 $execute0_lowered;
	[smem:$0x3FD2] =	sst s25  }
0xa6: {  	s5 =	sshll.u32 s26, $0x1;
	_ =	strace $0x80000046;
	[dreg:$0x1] =	wrdreg $0xFFFFFFFF  }
0xa7: {  	s28 =	simm.s32 $_size_execute0_lowered;
	s3 =	sadd.s32 s3, s5;
	[dreg:$0x0] =	wrdreg $0x0  }
0xa8: {  	s5 =	sshll.u32 s28, $0x1;
	[dreg:$0x2] =	wrdreg s3  }
0xa9: {  	[dreg:$0x3] =	wrdreg s5  }
0xaa: {  	[dreg:$0x4] =	wrdreg $0xC0  }
0xab: {  	_ =	task [dreg:s7], $0x5FFFF  }
0xac: {  	[dreg:$0x1] =	wrdreg $0xFFFFFFFF  }
0xad: {  	[dreg:$0x0] =	wrdreg $0x60  }
0xae: {  	[dreg:$0x2] =	wrdreg s2  }
0xaf: {  	[dreg:$0x3] =	wrdreg s24  }
0xb0: {  	[dreg:$0x4] =	wrdreg $0x9  }
0xb1: {  	_ =	task.clear_ibuf [dreg:s7], $0x5FFFF;
	_ =	strace $0x90000046  }
0xb2: {  	s29 =	simm.s32 $0x9;
	_ =	strace $0x80000048  }
0xb3: {  	_ =	swait.ge [sflag:s29], $0x1  }
0xb4: {  	[sflag:s29] =	ssyncadd.s32 $0xFFFFFFFF  }
0xb5: {  	_ =	strace $0x90000048  }
0xb6: {  	_ =	sfence  }
0xb7: {  	s30 =	sld [smem:$0x0];
	_ =	sdelay $0x2  }
0xb8: {  	s31 =	sshll.u32 s1, $0xD;
	s1 =	sshrl.u32 s1, $0x2  }
0xb9: {  	s3 =	sand.u32 $0x4000, s31;
	s1 =	sadd.s32 s1, s30  }
0xba: {  	s0 =	sor.u32 s3, s0;
	s1 =	sshll.u32 s1, $0x11  }
0xbb: {  	s0 =	sor.u32 s1, s0  }
0xbc: {  	s0 =	sadd.s32 $0x8F2B, s0  }
0xbd: {  	[sflag:s0] =	ssyncadd.remote.s32 $0x1  }
0xbe: {  	_ =	sfence.sel $0xFFFF  }
0xbf: {  	[dreg:$0x0] =	wrdreg $0xFFFFFFFF;
	(pc) =	sbr.abs _section_cstart, $3  }
0xc0: {  	[dreg:$0x1] =	wrdreg $0xFFFFFFFF  }
0xc1: {  	_ =	task.clear_ibuf [dreg:s7], $0x2FFFF;
	_ =	strace $0x9FFFFFFF  }
0xc2: {  	(tm) =	ssettm $0x7FFFFFFF  }
0xc3: {  	_ =	shalt  }
tec
execute0_lowered:
.L_overlay_start_1:
0x0: {  	(tag) =	ssettag $0x1  }
0x1: {  	s0 =	srdreg.scid  }
0x2: {  	s3 =	sand.u32 $0x1, s0  }
0x3: {  	s0 =	stileid.u32;
	s1 =	sshll.u32 s3, $0x4  }
0x4: {  	s5 =	rddreg [dreg:$0x0];
	s4 =	sor.u32 s0, s1  }
0x5: {  	s6 =	rddreg [dreg:$0x1];
	s2 =	simm.s32 $0x0;
	s1 =	sshrl.u32 s4, $0x3  }
0x6: {  	s9 =	simm.s32 $0x400;
	s8 =	sshll.u32 s0, $0x7;
	s7 =	smul.u32 $0x13C00, s1  }
0x7: {  	s10 =	simm.s32 $0x0;
	s3 =	ssub.s32 $0x2, s3;
	s8 =	sand.u32 $0x380, s8  }
0x8: {  	[smem:$0x7FF] =	sst s2;
	s31 =	sshrl.u32 s3, $0x1;
	s7 =	sor.u32 s8, s7  }
0x9: {  	s4 =	sshll.u32 s4, $0xB;
	s1 =	rddreg [dreg:$0x2];
	s7 =	sshrl.u32 s7, $0x3  }
0xa: {  	_ =	strace $0x80000047;
	s8 =	simm.s32 $0x80;
	s6 =	sadd.s32 s7, s6  }
0xb: {  	s7 =	ssub.s32 s3, s31;
	s3 =	sadd.s32 s5, s4;
	s4 =	sadd.s32 $0x1000, s6  }
0xc: {  	v0 =	vimm.f32 $0.0e+00;
	v1 =	vimm.f32 $1.000000000e+00;
	s5 =	smax.u32 s7, $0x1;
	s6 =	simm.s32 $0x1;
	s7 =	simm.s32 $0x4000  }
.LBB2_1:
0xd: {  	[tilespmem:s2], [sflag:$0x1] =	stream.linear.gather [hbm4b:s3+s2], $0x3E80, $0x38;
	[tilespmem:$0x6780] =	vst v63  }
0xe: {  	_ =	swait.ge [sflag:s6], $0x3E80  }
0xf: {  	[sflag:s6] =	ssyncset.done $0x0  }
0x10: {  	s11 =	simm.s32 $0x0;
	[sflag:s6] =	ssyncadd.s32 $0xFFFFC180  }
.LBB2_2:
0x11: {  	p0 =	sne.s32 s11, $0x9C00  }
.Ltmp0:
0x12: {  	_ = 	snop;
	(pc) =	sbr.rel @p0 .LBB2_2-.Ltmp0, $3  }
0x13: {  	_ =	sdelay $0x1  }
0x14: {  	s12 =	sshra.s32 s11, $0x2  }
0x15: {  	s11 =	sadd.s32 $0x40, s11;
	[tilespmem:s12+$0x4000] =	vst v0  }
0x16: {  	s11 =	simm.s32 $0x100  }
.LBB2_4:
0x17: {  	s12 =	sshra.s32 s11, $0x2  }
0x18: {  	v2 =	vld [tilespmem:s12+$0xFFFFFFC0];
	_ =	sdelay $0x7  }
0x19: {  	[tilespmem:v2+s7+$0x0] =	vst.idx.add.f32.msk $0xffff, v1  }
0x1a: {  	v2 =	vld [tilespmem:s12+$0xFFFFFFD0];
	_ =	sdelay $0x7  }
0x1b: {  	[tilespmem:v2+s7+$0x0] =	vst.idx.add.f32.msk $0xffff, v1  }
0x1c: {  	v2 =	vld [tilespmem:s12+$0xFFFFFFE0];
	_ =	sdelay $0x7  }
0x1d: {  	[tilespmem:v2+s7+$0x0] =	vst.idx.add.f32.msk $0xffff, v1  }
0x1e: {  	v2 =	vld [tilespmem:s12+$0xFFFFFFF0];
	_ =	sdelay $0x7  }
0x1f: {  	[tilespmem:v2+s7+$0x0] =	vst.idx.add.f32.msk $0xffff, v1  }
0x20: {  	v2 =	vld [tilespmem:s12+$0x0];
	_ =	sdelay $0x2  }
0x21: {  	p0 =	sne.s32 s11, $0xF900  }
.Ltmp1:
0x22: {  	_ = 	snop;
	(pc) =	sbr.rel @p0 .LBB2_4-.Ltmp1, $2  }
0x23: {  	_ =	sdelay $0x2  }
0x24: {  	s11 =	sadd.s32 $0x200, s11;
	[tilespmem:v2+s7+$0x0] =	vst.idx.add.f32.msk $0xffff, v1  }
0x25: {  	s10 =	sadd.s32 $0x1, s10  }
0x26: {  	p0 =	sne.s32 s10, s5  }
.Ltmp2:
0x27: {  	_ = 	snop;
	(pc) =	sbr.rel @p0 .LBB2_1-.Ltmp2, $4  }
0x28: {  	[hbm4b:s4+s8] =	stream.strided.scatter [tilespmem:s7], [sflag:$0x1], $0x2780, s9, s8, $0x38;
	[tilespmem:$0x6780] =	vst v63  }
0x29: {  	_ =	swait.ge [sflag:s6], $0x2780  }
0x2a: {  	[sflag:s6] =	ssyncset.done $0x0  }
0x2b: {  	[sflag:s6] =	ssyncadd.s32 $0xFFFFD880  }
0x2c: {  	_ =	sfence.sel $0x180000  }
0x2d: {  	[bflag:$0x0] =	sbarrier.arrive $0xFFFF  }
0x2e: {  	p0 =	sne.s32 s0, $0x0;
	_ =	strace $0x90000047  }
0x2f: {  	s0 =	sadd.s32 @!p0 $0x100000, s1;
	[bflag:$0x2] =	sbarrier.arrive $0xFFFF  }
0x30: {  	[sflag:s0] =	ssyncadd.tile.s32 @!p0 $0x1;
	_ =	shalt  }
.Lfunc_end2:
_tile_overlayer_lowered:
.L_overlay_start_2:
0x31: {  	(tag) =	ssettag $0x2  }
0x32: {  	s0 =	rddreg [dreg:$0x0];
	s2 =	stileid.u32  }
0x33: {  	s1 =	rddreg [dreg:$0x1];
	p0 =	sne.s32 s2, $0x0  }
0x34: {  	s3 =	rddreg [dreg:$0x2];
	[bflag:$0x3] =	sbarrier.arrive $0xFFFF;
	s2 =	simm.s32 @!p0 $0x1C01  }
0x35: {  	[timem:s3], [sflag:s2] =	dma.local @!p0 [hbm:s0], s1  }
0x36: {  	s0 =	simm.s32 @!p0 $0x1  }
0x37: {  	_ =	swait.ge @!p0 [sflag:s0], s1  }
0x38: {  	s1 =	ssub.s32 @!p0 $0x0, s1;
	[sflag:s0] =	ssyncset.done @!p0 $0x0  }
0x39: {  	[sflag:s0] =	ssyncadd.s32 @!p0 s1  }
0x3a: {  	[bflag:$0x3] =	sbarrier.arrive $0xFFFF  }
0x3b: {  	_ =	shalt  }

// kernel: kernel.9.cloned.1.call-start
scs
__scs_entry_jumppad:
0x0: {  	(pc) =	sbr.rel $0x88, $3  }
0x1: {  	(tag) =	ssettag $0x0;
	lr =	simm.s32 $0x1  }
0x2: {  	[smem:$0x3F9D] =	sst lr;
	_ =	strace $0xD0000000  }
0x3: {  	_ = 	snop  }
0x4: {  	_ = 	snop  }
0x5: {  	_ = 	snop  }
0x6: {  	_ = 	snop  }
0x7: {  	_ = 	snop  }
__scs_overlays_trampoline_lowered:
0x8: {  	[smem:$0x3FAC] =	sst s0  }
0x9: {  	[smem:$0x3FAD] =	sst s1  }
0xa: {  	[smem:$0x3FAE] =	sst s2  }
0xb: {  	[smem:$0x3FAF] =	sst s3  }
0xc: {  	[smem:$0x3FB0] =	sst s4  }
0xd: {  	[smem:$0x3FB1] =	sst s5  }
0xe: {  	[smem:$0x3FB2] =	sst s6  }
0xf: {  	[smem:$0x3FB3] =	sst s7  }
0x10: {  	[smem:$0x3FB4] =	sst s8  }
0x11: {  	[smem:$0x3FB5] =	sst s9;
	s0 =	simm.s32 @!p0 $0x0  }
0x12: {  	s1 =	sld [smem:$0x3F9B];
	s0 =	simm.s32 @p0 $0x1  }
0x13: {  	[smem:$0x3FB6] =	sst s0;
	s0 =	simm.s32 @!p1 $0x0  }
0x14: {  	s2 =	sld [smem:$0x3F9A];
	s0 =	simm.s32 @p1 $0x1  }
0x15: {  	[smem:$0x3FB7] =	sst s0;
	s0 =	simm.s32 @!p2 $0x0  }
0x16: {  	s3 =	sld [smem:$0x3FDB];
	s0 =	simm.s32 @p2 $0x1  }
0x17: {  	s4 =	simm.s32 $0x1BF5;
	[smem:$0x3FB9] =	sst s0  }
0x18: {  	s0 =	sld [smem:$0x3F9C];
	_ =	swait.ge [sflag:s4], $0x0  }
0x19: {  	s7 =	sld [smem:$0x3F9D]  }
0x1a: {  	s8 =	sadd.s32 $0xFFFFE003, lr  }
0x1b: {  	s9 =	sadd.s32 $0xFFFFFEF7, lr;
	s5 =	simm.s32 $0xFFFFFFFF;
	p2 =	slt.u32 s8, $0xFFFFF086  }
0x1c: {  	p1 =	slt.u32 s9, $0xF7A;
	s5 =	simm.s32 @!p2 $0x0  }
0x1d: {  	s5 =	simm.s32 @p1 $0x1;
	p0 =	seq.s32 s7, s2  }
0x1e: {  	s7 =	smul.u32 @!p0 $0xF7A, s2;
	p2 =	seq.s32 @!p0 s5, $0x0  }
0x1f: {  	s9 =	smul.u32 $0xF7A, s1;
	s8 =	simm.s32 @!p0 $0x1BF5;
	p2 =	por !p2, p0  }
0x20: {  	[sflag:s8] =	ssyncset.s32 @!p0 $0xFFFFF086;
	s6 =	sadd.s32 @!p0 s3, s7;
	s7 =	simm.s32 @!p0 $0x108  }
0x21: {  	s3 =	sadd.s32 s3, s9;
	s6 =	sadd.s32 @!p0 $0x88, s6;
	s7 =	simm.s32 @p2 $0x1082  }
0x22: {  	[simem:s7], [sflag:s8] =	dma.local @!p0 [hbm:s6], $0xF7A  }
0x23: {  	s9 =	sor.u32 $0xD0000000, s2;
	s6 =	simm.s32 $0x108;
	_ =	swait.ge @!p0 [sflag:s8], $0x0  }
0x24: {  	s3 =	sadd.s32 $0x88, s3;
	s6 =	simm.s32 @!p1 $0x1082;
	[sflag:s4] =	ssyncset.s32 $0xFFFFF086  }
0x25: {  	[simem:s6], [sflag:s4] =	dma.local [hbm:s3], $0xF7A  }
0x26: {  	[smem:$0x3F9D] =	sst s1;
	(tag) =	ssettag s2;
	_ =	strace s9  }
0x27: {  	s1 =	sld [smem:$0x3FAD]  }
0x28: {  	s2 =	sld [smem:$0x3FAE]  }
0x29: {  	s4 =	sld [smem:$0x3FB0]  }
0x2a: {  	p0 =	seq.s32 s5, $0x0;
	s5 =	sld [smem:$0x3FB1]  }
0x2b: {  	s6 =	sld [smem:$0x3FB2]  }
0x2c: {  	s7 =	sld [smem:$0x3FB3]  }
0x2d: {  	s3 =	simm.s32 $0x108;
	s8 =	sld [smem:$0x3FB4]  }
0x2e: {  	s3 =	simm.s32 @!p0 $0x1082;
	s9 =	sld [smem:$0x3FB5]  }
0x2f: {  	lr =	sadd.s32 s0, s3;
	s0 =	sld [smem:$0x3FAC]  }
0x30: {  	s3 =	sld [smem:$0x3FAF]  }
0x31: {  	[smem:$0x3FB8] =	sst s10  }
0x32: {  	s10 =	sld [smem:$0x3FB6];
	_ =	sdelay $0x3  }
0x33: {  	p0 =	seq.s32 s10, $0x1;
	s10 =	sld [smem:$0x3FB8];
	_ =	sdelay $0x3  }
0x34: {  	[smem:$0x3FB8] =	sst s10  }
0x35: {  	s10 =	sld [smem:$0x3FB7];
	_ =	sdelay $0x3  }
0x36: {  	p1 =	seq.s32 s10, $0x1;
	s10 =	sld [smem:$0x3FB8];
	_ =	sdelay $0x3  }
0x37: {  	[smem:$0x3FB8] =	sst s10  }
0x38: {  	s10 =	sld [smem:$0x3FB9]  }
0x39: {  	_ = 	snop;
	(pc) =	sbr.ind lr, $3  }
0x3a: {  	_ = 	snop  }
0x3b: {  	_ = 	snop  }
0x3c: {  	p2 =	seq.s32 s10, $0x1;
	s10 =	sld [smem:$0x3FB8]  }
0x3d: {  	_ =	shalt  }
0x3e: {  	_ =	shalt  }
0x3f: {  	_ =	shalt  }
0x40: {  	_ =	shalt  }
0x41: {  	_ =	shalt  }
0x42: {  	_ =	shalt  }
0x43: {  	_ =	shalt  }
0x44: {  	_ =	shalt  }
0x45: {  	_ =	shalt  }
0x46: {  	_ =	shalt  }
0x47: {  	_ =	shalt  }
0x48: {  	_ =	shalt  }
0x49: {  	_ =	shalt  }
0x4a: {  	_ =	shalt  }
0x4b: {  	_ =	shalt  }
0x4c: {  	_ =	shalt  }
0x4d: {  	_ =	shalt  }
0x4e: {  	_ =	shalt  }
0x4f: {  	_ =	shalt  }
0x50: {  	_ =	shalt  }
0x51: {  	_ =	shalt  }
0x52: {  	_ =	shalt  }
0x53: {  	_ =	shalt  }
0x54: {  	_ =	shalt  }
0x55: {  	_ =	shalt  }
0x56: {  	_ =	shalt  }
0x57: {  	_ =	shalt  }
0x58: {  	_ =	shalt  }
0x59: {  	_ =	shalt  }
0x5a: {  	_ =	shalt  }
0x5b: {  	_ =	shalt  }
0x5c: {  	_ =	shalt  }
0x5d: {  	_ =	shalt  }
0x5e: {  	_ =	shalt  }
0x5f: {  	_ =	shalt  }
0x60: {  	_ =	shalt  }
0x61: {  	_ =	shalt  }
0x62: {  	_ =	shalt  }
0x63: {  	_ =	shalt  }
0x64: {  	_ =	shalt  }
0x65: {  	_ =	shalt  }
0x66: {  	_ =	shalt  }
0x67: {  	_ =	shalt  }
0x68: {  	_ =	shalt  }
0x69: {  	_ =	shalt  }
0x6a: {  	_ =	shalt  }
0x6b: {  	_ =	shalt  }
0x6c: {  	_ =	shalt  }
0x6d: {  	_ =	shalt  }
0x6e: {  	_ =	shalt  }
0x6f: {  	_ =	shalt  }
0x70: {  	_ =	shalt  }
0x71: {  	_ =	shalt  }
0x72: {  	_ =	shalt  }
0x73: {  	_ =	shalt  }
0x74: {  	_ =	shalt  }
0x75: {  	_ =	shalt  }
0x76: {  	_ =	shalt  }
0x77: {  	_ =	shalt  }
0x78: {  	_ =	shalt  }
0x79: {  	_ =	shalt  }
0x7a: {  	_ =	shalt  }
0x7b: {  	_ =	shalt  }
0x7c: {  	_ =	shalt  }
0x7d: {  	_ =	shalt  }
0x7e: {  	_ =	shalt  }
0x7f: {  	_ =	shalt  }
0x80: {  	_ =	shalt  }
0x81: {  	_ =	shalt  }
0x82: {  	_ =	shalt  }
0x83: {  	_ =	shalt  }
0x84: {  	_ =	shalt  }
0x85: {  	_ =	shalt  }
0x86: {  	_ =	shalt  }
0x87: {  	_ =	shalt  }
.Lfunc_end0:
.L_simem_size_0:
called_computation.1_lowered:
.L_overlay_start_0:
0x88: {  	s2 =	sld [smem:$0x3FD9]  }
0x89: {  	s3 =	sld [smem:$0x3FFE];
	_ =	sdelay $0x1  }
0x8a: {  	s1 =	srdreg.scid  }
0x8b: {  	s0 =	sand.u32 $0x1, s1  }
0x8c: {  	s17 =	sshll.u32 s0, $0xA;
	s2 =	sadd.s32 s3, s2  }
0x8d: {  	s2 =	sadd.s32 s2, s17  }
0x8e: {  	[smem:$0x3FC4] =	sst s2  }
0x8f: {  	_ = 	snop  }
0x90: {  	s2 =	sld [smem:$0x3FD0];
	(tm) =	ssettm $0x1  }
0x91: {  	s18 =	sld [smem:$0x3FFB];
	_ =	sdelay $0x3  }
0x92: {  	_ =	strace s18  }
0x93: {  	s3 =	sld [smem:$0x3FFC];
	_ =	sdelay $0x3  }
0x94: {  	_ =	strace s3  }
0x95: {  	s3 =	sld [smem:$0x3FFD];
	_ =	sdelay $0x3  }
0x96: {  	_ =	strace s3  }
0x97: {  	_ =	strace $0x8FFFFFFF  }
0x98: {  	s19 =	sld [smem:$0x3FDB];
	_ =	sdelay $0x1  }
0x99: {  	s4 =	simm.s32 $_scs_section_size  }
0x9a: {  	s5 =	simm.s32 $_size__tile_overlayer_lowered;
	s6 =	simm.s32 $_tile_overlayer_lowered  }
0x9b: {  	s22 =	simm.s32 $0x1BFF;
	s21 =	sshll.u32 s6, $0x1;
	s3 =	sadd.s32 s4, s19  }
0x9c: {  	s7 =	simm.s32 $0x0;
	s20 =	sshll.u32 s5, $0x1;
	s5 =	sadd.s32 s21, s3  }
0x9d: {  	[timem:s7], [sflag:s22] =	dma.local [hbm:s5], s20  }
0x9e: {  	_ =	swait.ge [sflag:s22], s20  }
0x9f: {  	s4 =	ssub.s32 $0x0, s20;
	[sflag:s22] =	ssyncset.done $0x0  }
0xa0: {  	[sflag:s22] =	ssyncadd.s32 s4;
	_ =	sdelay $0x1  }
0xa1: {  	s23 =	simm.s32 $0x1B8B  }
0xa2: {  	_ =	swait.ge [sflag:s23], $0x1  }
0xa3: {  	[sflag:s23] =	ssyncset.done $0x0  }
0xa4: {  	s25 =	simm.s32 $0x1B8E;
	s24 =	sld [smem:$0x3FFE];
	[sflag:s23] =	ssyncadd.s32 $0xFFFFFFFF  }
0xa5: {  	s26 =	simm.s32 $execute0_lowered;
	[smem:$0x3FD2] =	sst s25  }
0xa6: {  	s5 =	sshll.u32 s26, $0x1;
	_ =	strace $0x80000049;
	[dreg:$0x1] =	wrdreg $0xFFFFFFFF  }
0xa7: {  	s28 =	simm.s32 $_size_execute0_lowered;
	s3 =	sadd.s32 s3, s5;
	[dreg:$0x0] =	wrdreg $0x0  }
0xa8: {  	s5 =	sshll.u32 s28, $0x1;
	[dreg:$0x2] =	wrdreg s3  }
0xa9: {  	[dreg:$0x3] =	wrdreg s5  }
0xaa: {  	[dreg:$0x4] =	wrdreg $0xC0  }
0xab: {  	_ =	task [dreg:s7], $0x5FFFF  }
0xac: {  	[dreg:$0x1] =	wrdreg $0xFFFFFFFF  }
0xad: {  	[dreg:$0x0] =	wrdreg $0x60  }
0xae: {  	[dreg:$0x2] =	wrdreg s24  }
0xaf: {  	[dreg:$0x3] =	wrdreg s2  }
0xb0: {  	[dreg:$0x4] =	wrdreg $0x54000  }
0xb1: {  	[dreg:$0x5] =	wrdreg $0x9  }
0xb2: {  	_ =	task.clear_ibuf [dreg:s7], $0x6FFFF;
	_ =	strace $0x90000049  }
0xb3: {  	s29 =	simm.s32 $0x9;
	_ =	strace $0x8000004B  }
0xb4: {  	_ =	swait.ge [sflag:s29], $0x1  }
0xb5: {  	[sflag:s29] =	ssyncadd.s32 $0xFFFFFFFF  }
0xb6: {  	_ =	strace $0x9000004B  }
0xb7: {  	_ =	sfence  }
0xb8: {  	s30 =	sld [smem:$0x0];
	_ =	sdelay $0x2  }
0xb9: {  	s31 =	sshll.u32 s1, $0xD;
	s1 =	sshrl.u32 s1, $0x2  }
0xba: {  	s3 =	sand.u32 $0x4000, s31;
	s1 =	sadd.s32 s1, s30  }
0xbb: {  	s0 =	sor.u32 s3, s0;
	s1 =	sshll.u32 s1, $0x11  }
0xbc: {  	s0 =	sor.u32 s1, s0  }
0xbd: {  	s0 =	sadd.s32 $0x8F2B, s0  }
0xbe: {  	[sflag:s0] =	ssyncadd.remote.s32 $0x1  }
0xbf: {  	_ =	sfence.sel $0xFFFF  }
0xc0: {  	[dreg:$0x0] =	wrdreg $0xFFFFFFFF;
	(pc) =	sbr.abs _section_cstart, $3  }
0xc1: {  	[dreg:$0x1] =	wrdreg $0xFFFFFFFF  }
0xc2: {  	_ =	task.clear_ibuf [dreg:s7], $0x2FFFF;
	_ =	strace $0x9FFFFFFF  }
0xc3: {  	(tm) =	ssettm $0x7FFFFFFF  }
tec
execute0_lowered:
.L_overlay_start_1:
0x0: {  	(tag) =	ssettag $0x1  }
0x1: {  	s0 =	rddreg [dreg:$0x0]  }
0x2: {  	s3 =	rddreg [dreg:$0x1]  }
0x3: {  	s1 =	rddreg [dreg:$0x2];
	s2 =	simm.s32 $0x0  }
0x4: {  	s4 =	srdreg.scid;
	s12 =	stileid.u32;
	s23 =	simm.s32 $0x80  }
0x5: {  	s24 =	simm.s32 $0x180;
	s25 =	simm.s32 $0x280;
	s26 =	simm.s32 $0x380  }
0x6: {  	s28 =	simm.s32 $0x2C00;
	s29 =	simm.s32 $0x5;
	s30 =	simm.s32 $0x3  }
0x7: {  	s31 =	simm.s32 $0x6;
	[smem:$0x7FF] =	sst s2;
	s6 =	sand.u32 $0x1, s4  }
0x8: {  	s9 =	smul.u32 $0x4E000, s12;
	s4 =	sadd.s32 $0xAE00, s0;
	s5 =	sadd.s32 $0x2AE00, s0  }
0x9: {  	s11 =	smul.u32 $0x2700, s12;
	s13 =	sshll.u32 s12, $0xF;
	s14 =	sshll.u32 s12, $0x6  }
0xa: {  	s19 =	sadd.s32 $0x138000, s1;
	p0 =	sne.s32 s12, $0xF;
	s7 =	smul.u32 $0x27100, s6  }
0xb: {  	_ =	strace $0x8000004A;
	s8 =	ssub.s32 $0x2, s6;
	[dreg:$0x4] =	wrdreg s23  }
0xc: {  	s6 =	sshll.u32 s6, $0x13;
	s19 =	sshrl.u32 @!p0 s19, $0x3;
	[dreg:$0x5] =	wrdreg s24  }
0xd: {  	s23 =	simm.s32 $0x1;
	s24 =	simm.s32 $0x50;
	[dreg:$0x6] =	wrdreg s25  }
0xe: {  	[dreg:$0x7] =	wrdreg s26;
	s25 =	simm.s32 $0x400;
	s26 =	simm.s32 $0x2  }
0xf: {  	s10 =	sshrl.u32 s8, $0x1;
	[dreg:$0x8] =	wrdreg s11;
	s15 =	sadd.s32 s3, s11  }
0x10: {  	s3 =	sadd.s32 $0x27000, s3;
	s0 =	sadd.s32 s7, s0;
	s8 =	ssub.s32 s8, s10  }
0x11: {  	s10 =	sshrl.u32 s9, $0x2;
	s7 =	sor.u32 s13, s6;
	[dreg:$0x9] =	wrdreg s15  }
0x12: {  	s9 =	sor.u32 $0x1C07, s14;
	[dreg:$0xa] =	wrdreg s3;
	s16 =	sshrl.u32 s7, $0x3  }
0x13: {  	s3 =	simm.s32 $0x0;
	s22 =	smax.u32 s8, $0x1;
	s11 =	sadd.s32 s4, s16  }
0x14: {  	s17 =	sadd.s32 s10, s1;
	[dreg:$0xe] =	wrdreg s22;
	s18 =	sadd.s32 $0x20, s11  }
0x15: {  	s15 =	sadd.s32 $0x52000, s0;
	s20 =	sadd.s32 $0x40, s11;
	[dreg:$0xb] =	wrdreg s18  }
0x16: {  	s0 =	simm.s32 $0x4;
	s21 =	sadd.s32 $0x60, s11;
	[dreg:$0xc] =	wrdreg s20  }
0x17: {  	s17 =	sshrl.u32 s17, $0x3;
	s22 =	simm.s32 $0x300;
	[dreg:$0xd] =	wrdreg s21  }
0x18: {  	s18 =	simm.s32 $0x7;
	s20 =	simm.s32 $0x100;
	s21 =	simm.s32 $0x200  }
.LBB2_1:
0x19: {  	s6 =	rddreg [dreg:$0x9]  }
0x1a: {  	[spmem:s17], [sflag:s9] =	dma.local [hbm:s6], $0x2700  }
0x1b: {  	_ =	swait.ge [sflag:s18], $0x2700  }
0x1c: {  	[sflag:s18] =	ssyncset.done $0x0  }
0x1d: {  	s6 =	rddreg [dreg:$0xa];
	[sflag:s18] =	ssyncadd.s32 $0xFFFFD900  }
0x1e: {  	[spmem:s19], [sflag:s9] =	dma.local @!p0 [hbm:s6], $0x100  }
0x1f: {  	s6 =	simm.s32 @!p0 $0x7  }
0x20: {  	_ =	swait.ge @!p0 [sflag:s6], $0x100  }
0x21: {  	[sflag:s6] =	ssyncset.done @!p0 $0x0  }
0x22: {  	[sflag:s6] =	ssyncadd.s32 @!p0 $0xFFFFFF00  }
0x23: {  	[tilespmem:s2], [sflag:$0x1] =	stream.linear.gather [hbm4b:s11+s2], $0x100, $0x38;
	[tilespmem:$0x18C80] =	vst v63  }
0x24: {  	s12 =	rddreg [dreg:$0xb]  }
0x25: {  	[tilespmem:s20], [sflag:$0x2] =	stream.linear.gather [hbm4b:s12+s2], $0x100, $0x38;
	[tilespmem:$0x18C80] =	vst v63  }
0x26: {  	s13 =	rddreg [dreg:$0xc]  }
0x27: {  	[tilespmem:s21], [sflag:$0x3] =	stream.linear.gather [hbm4b:s13+s2], $0x100, $0x38;
	[tilespmem:$0x18C80] =	vst v63  }
0x28: {  	s14 =	rddreg [dreg:$0xd]  }
0x29: {  	[tilespmem:s22], [sflag:$0x4] =	stream.linear.gather [hbm4b:s14+s2], $0x100, $0x38;
	[tilespmem:$0x18C80] =	vst v63  }
0x2a: {  	[bflag:$0x0] =	sbarrier.arrive $0xFFFF  }
0x2b: {  	_ =	swait.ge [sflag:s23], $0x100  }
0x2c: {  	[sflag:s23] =	ssyncset.done $0x0  }
0x2d: {  	[sflag:s23] =	ssyncadd.s32 $0xFFFFFF00  }
0x2e: {  	[tilespmem:s25], [sflag:$0x5] =	stream.indirect.gather [hbm4b:s5+s24], $0x80, s2, s24, $0xb8;
	[tilespmem:$0x18C80] =	vst v63  }
0x2f: {  	_ =	swait.ge [sflag:s26], $0x100  }
0x30: {  	[sflag:s26] =	ssyncset.done $0x0  }
0x31: {  	[sflag:s26] =	ssyncadd.s32 $0xFFFFFF00  }
0x32: {  	[tilespmem:s28], [sflag:$0x6] =	stream.indirect.gather [hbm4b:s5+s24], $0x80, s20, s24, $0xb8;
	[tilespmem:$0x18C80] =	vst v63  }
0x33: {  	_ =	swait.ge [sflag:s29], $0x2800  }
0x34: {  	p1 =	por $0x0, $0x0;
	s8 =	simm.s32 $0x400;
	[sflag:s29] =	ssyncset.done $0x0  }
0x35: {  	s8 =	simm.s32 @p1 $0x0;
	s16 =	rddreg [dreg:$0x4];
	[sflag:s29] =	ssyncadd.s32 $0xFFFFD800  }
0x36: {  	[spmem:s1] =	stream.indirect.scatter.add.f32 [tilespmem:s25], [sflag:$0x7], $0x80, s16, s24, $0xb8;
	[tilespmem:$0x18C80] =	vst v63  }
0x37: {  	s8 =	sadd.s32 s7, s8;
	_ =	swait.ge [sflag:s18], $0x2800  }
0x38: {  	s6 =	sshrl.u32 s8, $0x3;
	[sflag:s18] =	ssyncset.done $0x0  }
0x39: {  	s6 =	sadd.s32 s4, s6;
	[sflag:s18] =	ssyncadd.s32 $0xFFFFD800  }
0x3a: {  	[tilespmem:s2], [sflag:$0x1] =	stream.linear.gather [hbm4b:s6+s2], $0x100, $0x38;
	[tilespmem:$0x18C80] =	vst v63  }
0x3b: {  	_ =	swait.ge [sflag:s30], $0x100  }
0x3c: {  	[sflag:s30] =	ssyncset.done $0x0  }
0x3d: {  	[sflag:s30] =	ssyncadd.s32 $0xFFFFFF00  }
0x3e: {  	[tilespmem:s25], [sflag:$0x5] =	stream.indirect.gather [hbm4b:s5+s24], $0x80, s21, s24, $0xb8;
	[tilespmem:$0x18C80] =	vst v63  }
0x3f: {  	_ =	swait.ge [sflag:s31], $0x2800  }
0x40: {  	s8 =	simm.s32 $0x500;
	[sflag:s31] =	ssyncset.done $0x0  }
0x41: {  	s8 =	simm.s32 @p1 $0x100;
	s10 =	rddreg [dreg:$0x5];
	[sflag:s31] =	ssyncadd.s32 $0xFFFFD800  }
0x42: {  	[spmem:s1] =	stream.indirect.scatter.add.f32 [tilespmem:s28], [sflag:$0x7], $0x80, s10, s24, $0xb8;
	[tilespmem:$0x18C80] =	vst v63  }
0x43: {  	s12 =	sadd.s32 s7, s8;
	_ =	swait.ge [sflag:s18], $0x2800  }
0x44: {  	s6 =	sshrl.u32 s12, $0x3;
	[sflag:s18] =	ssyncset.done $0x0  }
0x45: {  	s6 =	sadd.s32 s4, s6;
	[sflag:s18] =	ssyncadd.s32 $0xFFFFD800  }
0x46: {  	[tilespmem:s20], [sflag:$0x2] =	stream.linear.gather [hbm4b:s6+s2], $0x100, $0x38;
	[tilespmem:$0x18C80] =	vst v63  }
0x47: {  	_ =	swait.ge [sflag:s0], $0x100  }
0x48: {  	[sflag:s0] =	ssyncset.done $0x0  }
0x49: {  	[sflag:s0] =	ssyncadd.s32 $0xFFFFFF00  }
0x4a: {  	[tilespmem:s28], [sflag:$0x6] =	stream.indirect.gather [hbm4b:s5+s24], $0x80, s22, s24, $0xb8;
	[tilespmem:$0x18C80] =	vst v63  }
0x4b: {  	_ =	swait.ge [sflag:s29], $0x2800  }
0x4c: {  	s8 =	simm.s32 $0x600;
	[sflag:s29] =	ssyncset.done $0x0  }
0x4d: {  	s8 =	simm.s32 @p1 $0x200;
	s13 =	rddreg [dreg:$0x6];
	[sflag:s29] =	ssyncadd.s32 $0xFFFFD800  }
0x4e: {  	[spmem:s1] =	stream.indirect.scatter.add.f32 [tilespmem:s25], [sflag:$0x7], $0x80, s13, s24, $0xb8;
	[tilespmem:$0x18C80] =	vst v63  }
0x4f: {  	s14 =	sadd.s32 s7, s8;
	_ =	swait.ge [sflag:s18], $0x2800  }
0x50: {  	s6 =	sshrl.u32 s14, $0x3;
	[sflag:s18] =	ssyncset.done $0x0  }
0x51: {  	s6 =	sadd.s32 s4, s6;
	[sflag:s18] =	ssyncadd.s32 $0xFFFFD800  }
0x52: {  	[tilespmem:s21], [sflag:$0x3] =	stream.linear.gather [hbm4b:s6+s2], $0x100, $0x38;
	[tilespmem:$0x18C80] =	vst v63  }
0x53: {  	_ =	swait.ge [sflag:s23], $0x100  }
0x54: {  	[sflag:s23] =	ssyncset.done $0x0  }
0x55: {  	s6 =	simm.s32 $0x700;
	[sflag:s23] =	ssyncadd.s32 $0xFFFFFF00  }
0x56: {  	[tilespmem:s25], [sflag:$0x5] =	stream.indirect.gather [hbm4b:s5+s24], $0x80, s2, s24, $0xb8;
	[tilespmem:$0x18C80] =	vst v63  }
0x57: {  	s6 =	simm.s32 @p1 $0x300;
	_ =	swait.ge [sflag:s31], $0x2800  }
0x58: {  	s6 =	sadd.s32 s7, s6;
	[sflag:s31] =	ssyncset.done $0x0  }
0x59: {  	s6 =	sshrl.u32 s6, $0x3;
	s16 =	rddreg [dreg:$0x7];
	[sflag:s31] =	ssyncadd.s32 $0xFFFFD800  }
0x5a: {  	[spmem:s1] =	stream.indirect.scatter.add.f32 [tilespmem:s28], [sflag:$0x7], $0x80, s16, s24, $0xb8;
	[tilespmem:$0x18C80] =	vst v63  }
0x5b: {  	s8 =	simm.s32 $0xB00;
	s6 =	sadd.s32 s4, s6;
	_ =	swait.ge [sflag:s18], $0x2800  }
.LBB2_2:
0x5c: {  	[sflag:s18] =	ssyncset.done $0x0  }
0x5d: {  	[sflag:s18] =	ssyncadd.s32 $0xFFFFD800  }
0x5e: {  	[tilespmem:s22], [sflag:$0x4] =	stream.linear.gather [hbm4b:s6+s2], $0x100, $0x38;
	[tilespmem:$0x18C80] =	vst v63  }
0x5f: {  	_ =	swait.ge [sflag:s26], $0x100  }
0x60: {  	[sflag:s26] =	ssyncset.done $0x0  }
0x61: {  	[sflag:s26] =	ssyncadd.s32 $0xFFFFFF00  }
0x62: {  	[tilespmem:s28], [sflag:$0x6] =	stream.indirect.gather [hbm4b:s5+s24], $0x80, s20, s24, $0xb8;
	[tilespmem:$0x18C80] =	vst v63  }
0x63: {  	s10 =	smov.u32 s8;
	_ =	swait.ge [sflag:s29], $0x2800  }
0x64: {  	p2 =	seq.s32 s10, $0x8300;
	s6 =	sadd.s32 $0xFFFFFD00, s10;
	[sflag:s29] =	ssyncset.done $0x0  }
0x65: {  	s6 =	simm.s32 @p2 $0x0;
	s14 =	rddreg [dreg:$0x4];
	[sflag:s29] =	ssyncadd.s32 $0xFFFFD800  }
0x66: {  	[spmem:s1] =	stream.indirect.scatter.add.f32 [tilespmem:s25], [sflag:$0x7], $0x80, s14, s24, $0xb8;
	[tilespmem:$0x18C80] =	vst v63  }
0x67: {  	s6 =	sadd.s32 s7, s6;
	_ =	swait.ge [sflag:s18], $0x2800  }
0x68: {  	s16 =	sshrl.u32 s6, $0x3;
	[sflag:s18] =	ssyncset.done $0x0  }
0x69: {  	s16 =	sadd.s32 s4, s16;
	[sflag:s18] =	ssyncadd.s32 $0xFFFFD800  }
0x6a: {  	[tilespmem:s2], [sflag:$0x1] =	stream.linear.gather [hbm4b:s16+s2], $0x100, $0x38;
	[tilespmem:$0x18C80] =	vst v63  }
0x6b: {  	_ =	swait.ge [sflag:s30], $0x100  }
0x6c: {  	[sflag:s30] =	ssyncset.done $0x0  }
0x6d: {  	[sflag:s30] =	ssyncadd.s32 $0xFFFFFF00  }
0x6e: {  	[tilespmem:s25], [sflag:$0x5] =	stream.indirect.gather [hbm4b:s5+s24], $0x80, s21, s24, $0xb8;
	[tilespmem:$0x18C80] =	vst v63  }
0x6f: {  	_ =	swait.ge [sflag:s31], $0x2800  }
0x70: {  	s12 =	sadd.s32 $0xFFFFFF00, s10;
	s13 =	sadd.s32 $0xFFFFFE00, s10;
	[sflag:s31] =	ssyncset.done $0x0  }
0x71: {  	s13 =	simm.s32 @p2 $0x100;
	s16 =	rddreg [dreg:$0x5];
	[sflag:s31] =	ssyncadd.s32 $0xFFFFD800  }
0x72: {  	[spmem:s1] =	stream.indirect.scatter.add.f32 [tilespmem:s28], [sflag:$0x7], $0x80, s16, s24, $0xb8;
	[tilespmem:$0x18C80] =	vst v63  }
0x73: {  	s10 =	simm.s32 @p2 $0x300;
	s13 =	sadd.s32 s7, s13;
	_ =	swait.ge [sflag:s18], $0x2800  }
0x74: {  	s10 =	sadd.s32 s7, s10;
	s14 =	sshrl.u32 s13, $0x3;
	[sflag:s18] =	ssyncset.done $0x0  }
0x75: {  	s6 =	sshrl.u32 s10, $0x3;
	s10 =	sadd.s32 s4, s14;
	[sflag:s18] =	ssyncadd.s32 $0xFFFFD800  }
0x76: {  	[tilespmem:s20], [sflag:$0x2] =	stream.linear.gather [hbm4b:s10+s2], $0x100, $0x38;
	[tilespmem:$0x18C80] =	vst v63  }
0x77: {  	_ =	swait.ge [sflag:s0], $0x100  }
0x78: {  	[sflag:s0] =	ssyncset.done $0x0  }
0x79: {  	[sflag:s0] =	ssyncadd.s32 $0xFFFFFF00  }
0x7a: {  	[tilespmem:s28], [sflag:$0x6] =	stream.indirect.gather [hbm4b:s5+s24], $0x80, s22, s24, $0xb8;
	[tilespmem:$0x18C80] =	vst v63  }
0x7b: {  	_ =	swait.ge [sflag:s29], $0x2800  }
0x7c: {  	[sflag:s29] =	ssyncset.done $0x0  }
0x7d: {  	s12 =	simm.s32 @p2 $0x200;
	s14 =	rddreg [dreg:$0x6];
	[sflag:s29] =	ssyncadd.s32 $0xFFFFD800  }
0x7e: {  	[spmem:s1] =	stream.indirect.scatter.add.f32 [tilespmem:s25], [sflag:$0x7], $0x80, s14, s24, $0xb8;
	[tilespmem:$0x18C80] =	vst v63  }
0x7f: {  	s12 =	sadd.s32 s7, s12;
	_ =	swait.ge [sflag:s18], $0x2800  }
0x80: {  	s13 =	sshrl.u32 s12, $0x3;
	[sflag:s18] =	ssyncset.done $0x0  }
0x81: {  	s10 =	sadd.s32 s4, s13;
	[sflag:s18] =	ssyncadd.s32 $0xFFFFD800  }
0x82: {  	[tilespmem:s21], [sflag:$0x3] =	stream.linear.gather [hbm4b:s10+s2], $0x100, $0x38;
	[tilespmem:$0x18C80] =	vst v63  }
0x83: {  	_ =	swait.ge [sflag:s23], $0x100  }
0x84: {  	[sflag:s23] =	ssyncset.done $0x0  }
0x85: {  	p1 =	sne.s32 s8, $0x8300;
	[sflag:s23] =	ssyncadd.s32 $0xFFFFFF00  }
0x86: {  	[tilespmem:s25], [sflag:$0x5] =	stream.indirect.gather [hbm4b:s5+s24], $0x80, s2, s24, $0xb8;
	[tilespmem:$0x18C80] =	vst v63  }
.Ltmp0:
0x87: {  	_ =	swait.ge [sflag:s31], $0x2800;
	(pc) =	sbr.rel @p1 .LBB2_2-.Ltmp0, $4  }
0x88: {  	[sflag:s31] =	ssyncset.done $0x0  }
0x89: {  	s16 =	rddreg [dreg:$0x7];
	[sflag:s31] =	ssyncadd.s32 $0xFFFFD800  }
0x8a: {  	[spmem:s1] =	stream.indirect.scatter.add.f32 [tilespmem:s28], [sflag:$0x7], $0x80, s16, s24, $0xb8;
	[tilespmem:$0x18C80] =	vst v63  }
0x8b: {  	s8 =	sadd.s32 $0x400, s8;
	s6 =	sadd.s32 s4, s6;
	_ =	swait.ge [sflag:s18], $0x2800  }
0x8c: {  	[sflag:s18] =	ssyncset.done $0x0  }
0x8d: {  	[sflag:s18] =	ssyncadd.s32 $0xFFFFD800  }
0x8e: {  	[tilespmem:s22], [sflag:$0x4] =	stream.linear.gather [hbm4b:s6+s2], $0x100, $0x38;
	[tilespmem:$0x18C80] =	vst v63  }
0x8f: {  	_ =	swait.ge [sflag:s26], $0x100  }
0x90: {  	[sflag:s26] =	ssyncset.done $0x0  }
0x91: {  	[sflag:s26] =	ssyncadd.s32 $0xFFFFFF00  }
0x92: {  	[tilespmem:s28], [sflag:$0x6] =	stream.indirect.gather [hbm4b:s5+s24], $0x80, s20, s24, $0xb8;
	[tilespmem:$0x18C80] =	vst v63  }
0x93: {  	_ =	swait.ge [sflag:s29], $0x2800  }
0x94: {  	[sflag:s29] =	ssyncset.done $0x0  }
0x95: {  	[sflag:s29] =	ssyncadd.s32 $0xFFFFD800  }
0x96: {  	_ =	swait.ge [sflag:s31], $0x2800  }
0x97: {  	[sflag:s31] =	ssyncset.done $0x0  }
0x98: {  	[sflag:s31] =	ssyncadd.s32 $0xFFFFD800  }
0x99: {  	_ =	swait.ge [sflag:s30], $0x100  }
0x9a: {  	[sflag:s30] =	ssyncset.done $0x0  }
0x9b: {  	[sflag:s30] =	ssyncadd.s32 $0xFFFFFF00  }
0x9c: {  	_ =	swait.ge [sflag:s0], $0x100  }
0x9d: {  	[sflag:s0] =	ssyncset.done $0x0  }
0x9e: {  	[sflag:s0] =	ssyncadd.s32 $0xFFFFFF00  }
0x9f: {  	[bflag:$0x0] =	sbarrier.arrive $0xFFFF  }
0xa0: {  	s16 =	rddreg [dreg:$0x8]  }
0xa1: {  	s6 =	sadd.s32 s16, s15  }
0xa2: {  	[hbm:s6], [sflag:s9] =	dma.local [spmem:s17], $0x2700  }
0xa3: {  	_ =	swait.ge [sflag:s18], $0x2700  }
0xa4: {  	[sflag:s18] =	ssyncset.done $0x0  }
0xa5: {  	s6 =	sadd.s32 @!p0 $0x27000, s15;
	[sflag:s18] =	ssyncadd.s32 $0xFFFFD900  }
0xa6: {  	[hbm:s6], [sflag:s9] =	dma.local @!p0 [spmem:s19], $0x100  }
0xa7: {  	s6 =	simm.s32 @!p0 $0x7  }
0xa8: {  	_ =	swait.ge @!p0 [sflag:s6], $0x100  }
0xa9: {  	s3 =	sadd.s32 $0x1, s3;
	s8 =	rddreg [dreg:$0xe]  }
0xaa: {  	p1 =	sne.s32 s3, s8  }
.Ltmp1:
0xab: {  	_ = 	snop;
	(pc) =	sbr.rel @p1 .LBB2_1-.Ltmp1, $3  }
0xac: {  	_ =	sdelay $0x1  }
0xad: {  	[sflag:s6] =	ssyncset.done @!p0 $0x0  }
0xae: {  	[sflag:s6] =	ssyncadd.s32 @!p0 $0xFFFFFF00  }
0xaf: {  	_ =	sfence.sel $0x180000  }
0xb0: {  	[bflag:$0x0] =	sbarrier.arrive $0xFFFF  }
0xb1: {  	_ =	strace $0x9000004A  }
0xb2: {  	s0 =	stileid.u32;
	[bflag:$0x2] =	sbarrier.arrive $0xFFFF  }
0xb3: {  	p0 =	sne.s32 s0, $0x0;
	s0 =	rddreg [dreg:$0x3]  }
0xb4: {  	s0 =	sadd.s32 @!p0 $0x100000, s0  }
0xb5: {  	[sflag:s0] =	ssyncadd.tile.s32 @!p0 $0x1;
	_ =	shalt  }
.Lfunc_end2:
_tile_overlayer_lowered:
.L_overlay_start_2:
0xb6: {  	(tag) =	ssettag $0x2  }
0xb7: {  	s0 =	rddreg [dreg:$0x0];
	s2 =	stileid.u32  }
0xb8: {  	s1 =	rddreg [dreg:$0x1];
	p0 =	sne.s32 s2, $0x0  }
0xb9: {  	s3 =	rddreg [dreg:$0x2];
	[bflag:$0x3] =	sbarrier.arrive $0xFFFF;
	s2 =	simm.s32 @!p0 $0x1C07  }
0xba: {  	[timem:s3], [sflag:s2] =	dma.local @!p0 [hbm:s0], s1  }
0xbb: {  	s0 =	simm.s32 @!p0 $0x7  }
0xbc: {  	_ =	swait.ge @!p0 [sflag:s0], s1  }
0xbd: {  	s1 =	ssub.s32 @!p0 $0x0, s1;
	[sflag:s0] =	ssyncset.done @!p0 $0x0  }
0xbe: {  	[sflag:s0] =	ssyncadd.s32 @!p0 s1  }
0xbf: {  	[bflag:$0x3] =	sbarrier.arrive $0xFFFF  }
0xc0: {  	_ =	shalt  }

</sc_bundles>
